<compile_context>
chip_gen: v7x
topology: tpu7x:2x2x1
jax: 0.10.2.dev20260603
libtpu: 0.0.44.dev20260713+nightly
codegen_flags: <defaults>
</compile_context>

<pallas_src>
import functools

import jax
import jax.numpy as jnp
from jax import lax
from jax.experimental import pallas as pl
from jax.experimental.pallas import tpu as pltpu
from jax.experimental.pallas import tpu_sc as plsc

D_MODEL = 64
DP = 128
SCALE = float(D_MODEL) ** 0.5

NC, NS = 2, 16
NW = NC * NS

ROWS = 4096 * 200
RPW = ROWS // NW
G = 64
NG = RPW // G
NB = 8
LEAD = NB // 2
NH = NG // NB

_mesh = plsc.VectorSubcoreMesh(core_axis_name="c", subcore_axis_name="s")


@functools.partial(
    pl.kernel,
    mesh=_mesh,
    out_type=jax.ShapeDtypeStruct((ROWS, DP), jnp.float32),
    scratch_types=(
        [pltpu.VMEM((NG, G), jnp.int32)]
        + [pltpu.VMEM((G, DP), jnp.float32) for _ in range(NB)]
        + [pltpu.SemaphoreType.DMA for _ in range(2 * NB)]
    ),
    compiler_params=pltpu.CompilerParams(use_tc_tiling_on_sc=True),
)
def _embed(idx_hbm, table_hbm, out_hbm, idx_v, *bufs):
    rows = bufs[0:NB]
    gsem = bufs[NB:2 * NB]
    osem = bufs[2 * NB:3 * NB]
    wid = lax.axis_index("s") * NC + lax.axis_index("c")
    pltpu.sync_copy(idx_hbm.at[wid], idx_v)
    out_base = wid * RPW

    def gather_start(g, b):
        pltpu.async_copy(table_hbm.at[idx_v.at[g]], rows[b], gsem[b])

    def gather_wait(g, b):
        pltpu.make_async_copy(table_hbm.at[idx_v.at[g]], rows[b], gsem[b]).wait()

    def scatter_start(g, b):
        pltpu.async_copy(rows[b], out_hbm.at[pl.ds(out_base + g * G, G)], osem[b])

    def scatter_wait(b):
        pltpu.make_async_copy(
            rows[b], out_hbm.at[pl.ds(out_base, G)], osem[b]).wait()

    def visit(g, b, pre_fetch, pre_wait):
        b_pre = (b + LEAD) % NB
        gather_wait(g, b)
        scatter_start(g, b)
        if pre_fetch:
            if pre_wait:
                scatter_wait(b_pre)
            gather_start(g + LEAD, b_pre)

    for b in range(LEAD):
        gather_start(b, b)
    for b in range(NB):
        visit(b, b, pre_fetch=True, pre_wait=(b >= LEAD))

    def outer(h, carry):
        for b in range(NB):
            visit(h * NB + b, b, pre_fetch=True, pre_wait=True)
        return carry

    lax.fori_loop(1, NH - 1, outer, 0)

    for b in range(NB):
        visit((NH - 1) * NB + b, b, pre_fetch=(b < LEAD), pre_wait=True)
    for b in range(LEAD, NB):
        scatter_wait(b)


def kernel(x, table):
    table2 = table.reshape(VOCAB_PAIRS, DP) * SCALE
    idx2 = (x >> 1).reshape(NW, NG, G)
    out2 = _embed(idx2, table2)
    par = (x.reshape(ROWS, 1) & 1) == 1
    return jnp.where(par, out2[:, D_MODEL:], out2[:, :D_MODEL]).reshape(
        4096, 200, D_MODEL)


VOCAB_PAIRS = 500000

# --- scband reference (transcript-rebuilt; emitter-appended) ---
"""Pipeline reference for scband-embeddings-80410377716285 (READ-ONLY COPY).

The authoritative reference and input builder live on the scoring server;
editing this copy changes nothing except your own understanding.
"""

import jax, jax.numpy as jnp
import numpy as np

VOCAB = 1000000
D_MODEL = 64
PADDING_IDX = 0

def setup_inputs(seed: int = 0) -> dict:
    key = jax.random.key(seed)
    k1, k2 = jax.random.split(key)
    x = jax.random.randint(k1, (4096, 200), 0, VOCAB, dtype=jnp.int64 if jax.config.jax_enable_x64 else jnp.int32).astype(jnp.int32)
    table = jax.random.normal(k2, (VOCAB, D_MODEL), dtype=jnp.float32)
    # padding_idx row is zero-initialized in nn.Embedding
    table = table.at[PADDING_IDX].set(0.0)
    return {"x": x, "table": table}

def reference(x, table):
    # nn.Embedding lookup
    embed = jnp.take(table, x, axis=0)
    # scale_embedding=True -> multiply by sqrt(embedding_dim)
    return embed * (D_MODEL ** 0.5)

if __name__ == "__main__":
    import jax
    _d = setup_inputs()
    print(jax.jit(kernel)(*tuple(_d.values())))

</pallas_src>

<mosaic_0001>
#map = affine_map<(d0, d1) -> (0, 0, 0)>
#map1 = affine_map<(d0, d1) -> (0, 0)>
module attributes {stable_mosaic.version = 14 : i64} {
  func.func @_embed(%arg0: i32, %arg1: i32, %arg2: memref<32x400x64xi32, #tpu.memory_space<hbm>>, %arg3: memref<500000x128xf32, #tpu.memory_space<hbm>>, %arg4: memref<819200x128xf32, #tpu.memory_space<hbm>>, %arg5: memref<400x64xi32, #tpu.memory_space<vmem>>, %arg6: memref<64x128xf32, #tpu.memory_space<vmem>>, %arg7: memref<64x128xf32, #tpu.memory_space<vmem>>, %arg8: memref<64x128xf32, #tpu.memory_space<vmem>>, %arg9: memref<64x128xf32, #tpu.memory_space<vmem>>, %arg10: memref<64x128xf32, #tpu.memory_space<vmem>>, %arg11: memref<64x128xf32, #tpu.memory_space<vmem>>, %arg12: memref<64x128xf32, #tpu.memory_space<vmem>>, %arg13: memref<64x128xf32, #tpu.memory_space<vmem>>, %arg14: memref<!tpu.dma_semaphore, #tpu.memory_space<semaphore_mem>>, %arg15: memref<!tpu.dma_semaphore, #tpu.memory_space<semaphore_mem>>, %arg16: memref<!tpu.dma_semaphore, #tpu.memory_space<semaphore_mem>>, %arg17: memref<!tpu.dma_semaphore, #tpu.memory_space<semaphore_mem>>, %arg18: memref<!tpu.dma_semaphore, #tpu.memory_space<semaphore_mem>>, %arg19: memref<!tpu.dma_semaphore, #tpu.memory_space<semaphore_mem>>, %arg20: memref<!tpu.dma_semaphore, #tpu.memory_space<semaphore_mem>>, %arg21: memref<!tpu.dma_semaphore, #tpu.memory_space<semaphore_mem>>, %arg22: memref<!tpu.dma_semaphore, #tpu.memory_space<semaphore_mem>>, %arg23: memref<!tpu.dma_semaphore, #tpu.memory_space<semaphore_mem>>, %arg24: memref<!tpu.dma_semaphore, #tpu.memory_space<semaphore_mem>>, %arg25: memref<!tpu.dma_semaphore, #tpu.memory_space<semaphore_mem>>, %arg26: memref<!tpu.dma_semaphore, #tpu.memory_space<semaphore_mem>>, %arg27: memref<!tpu.dma_semaphore, #tpu.memory_space<semaphore_mem>>, %arg28: memref<!tpu.dma_semaphore, #tpu.memory_space<semaphore_mem>>, %arg29: memref<!tpu.dma_semaphore, #tpu.memory_space<semaphore_mem>>) attributes {dimension_semantics = [#tpu.dimension_semantics<core_parallel>, #tpu.dimension_semantics<subcore_parallel>], iteration_bounds = array<i64: 2, 16>, scalar_prefetch = 0 : i64, scratch_operands = 25 : i64, tpu.core_type = #tpu.core_type<sc_vector_subcore>, window_params = [{transform_indices = #map}, {transform_indices = #map1}, {transform_indices = #map1}]} {
    %mul3A = arith.constant 2 : i32
    %mul3A_0 = arith.muli %arg1, %mul3A : i32
    %add3A = arith.addi %mul3A_0, %arg0 : i32
    "tpu.region"() ({
      %run_scoped3A = tpu.sem_alloc : memref<!tpu.dma_semaphore, #tpu.memory_space<semaphore_mem>>
      %dma_start3A_374 = arith.constant 0 : i32
      %dma_start3A_375 = arith.constant 0 : i32
      %dma_start3A_376 = tpu.memref_slice %arg2[%add3A, %dma_start3A_374, %dma_start3A_375] : memref<32x400x64xi32, #tpu.memory_space<hbm>> -> memref<1x400x64xi32, #tpu.memory_space<hbm>>
      %dma_start3A_377 = tpu.memref_squeeze %dma_start3A_376 : memref<1x400x64xi32, #tpu.memory_space<hbm>> -> memref<400x64xi32, #tpu.memory_space<hbm>>
      %dma_start3A_378 = arith.constant 0 : i32
      %dma_start3A_379 = arith.constant 0 : i32
      %dma_start3A_380 = tpu.memref_slice %arg2[%add3A, %dma_start3A_378, %dma_start3A_379] : memref<32x400x64xi32, #tpu.memory_space<hbm>> -> memref<1x400x64xi32, #tpu.memory_space<hbm>>
      %dma_start3A_381 = tpu.memref_squeeze %dma_start3A_380 : memref<1x400x64xi32, #tpu.memory_space<hbm>> -> memref<400x64xi32, #tpu.memory_space<hbm>>
      tpu.enqueue_dma source(%dma_start3A_381 : memref<400x64xi32, #tpu.memory_space<hbm>>) target(%arg5 : memref<400x64xi32, #tpu.memory_space<vmem>>) target_semaphore(%run_scoped3A : memref<!tpu.dma_semaphore, #tpu.memory_space<semaphore_mem>>)
      %dma_wait3A_382 = arith.constant 0 : i32
      %dma_wait3A_383 = arith.constant 0 : i32
      %dma_wait3A_384 = tpu.memref_slice %arg2[%add3A, %dma_wait3A_382, %dma_wait3A_383] : memref<32x400x64xi32, #tpu.memory_space<hbm>> -> memref<1x400x64xi32, #tpu.memory_space<hbm>>
      %dma_wait3A_385 = tpu.memref_squeeze %dma_wait3A_384 : memref<1x400x64xi32, #tpu.memory_space<hbm>> -> memref<400x64xi32, #tpu.memory_space<hbm>>
      %dma_wait3A_386 = arith.constant 0 : i32
      %dma_wait3A_387 = arith.constant 0 : i32
      %dma_wait3A_388 = tpu.memref_slice %arg2[%add3A, %dma_wait3A_386, %dma_wait3A_387] : memref<32x400x64xi32, #tpu.memory_space<hbm>> -> memref<1x400x64xi32, #tpu.memory_space<hbm>>
      %dma_wait3A_389 = tpu.memref_squeeze %dma_wait3A_388 : memref<1x400x64xi32, #tpu.memory_space<hbm>> -> memref<400x64xi32, #tpu.memory_space<hbm>>
      tpu.wait_dma2 semaphore(%run_scoped3A : memref<!tpu.dma_semaphore, #tpu.memory_space<semaphore_mem>>) src(%dma_wait3A_389 : memref<400x64xi32, #tpu.memory_space<hbm>>) dst(%arg5 : memref<400x64xi32, #tpu.memory_space<vmem>>)
      tpu.yield
    }) : () -> ()
    %mul3A_1 = arith.constant 25600 : i32
    %mul3A_2 = arith.muli %add3A, %mul3A_1 : i32
    %dma_start3A = arith.constant 0 : i32
    %dma_start3A_3 = arith.constant 0 : i32
    %dma_start3A_4 = tpu.memref_slice %arg5[%dma_start3A, %dma_start3A_3] : memref<400x64xi32, #tpu.memory_space<vmem>> -> memref<1x64xi32, #tpu.memory_space<vmem>>
    %dma_start3A_5 = tpu.memref_squeeze %dma_start3A_4 : memref<1x64xi32, #tpu.memory_space<vmem>> -> memref<64xi32, #tpu.memory_space<vmem>>
    %dma_start3A_6 = arith.constant 0 : i32
    %dma_start3A_7 = arith.constant 0 : i32
    %dma_start3A_8 = tpu.memref_slice %arg3[%dma_start3A_6, %dma_start3A_7] : memref<500000x128xf32, #tpu.memory_space<hbm>> -> memref<500000x128xf32, #tpu.memory_space<hbm>>
    tpu.enqueue_indirect_dma source(%dma_start3A_8 : memref<500000x128xf32, #tpu.memory_space<hbm>>) target(%arg6 : memref<64x128xf32, #tpu.memory_space<vmem>>) offsets(%dma_start3A_5 : memref<64xi32, #tpu.memory_space<vmem>>) semaphore(%arg14 : memref<!tpu.dma_semaphore, #tpu.memory_space<semaphore_mem>>)
    %dma_start3A_9 = arith.constant 1 : i32
    %dma_start3A_10 = arith.constant 0 : i32
    %dma_start3A_11 = tpu.memref_slice %arg5[%dma_start3A_9, %dma_start3A_10] : memref<400x64xi32, #tpu.memory_space<vmem>> -> memref<1x64xi32, #tpu.memory_space<vmem>>
    %dma_start3A_12 = tpu.memref_squeeze %dma_start3A_11 : memref<1x64xi32, #tpu.memory_space<vmem>> -> memref<64xi32, #tpu.memory_space<vmem>>
    %dma_start3A_13 = arith.constant 0 : i32
    %dma_start3A_14 = arith.constant 0 : i32
    %dma_start3A_15 = tpu.memref_slice %arg3[%dma_start3A_13, %dma_start3A_14] : memref<500000x128xf32, #tpu.memory_space<hbm>> -> memref<500000x128xf32, #tpu.memory_space<hbm>>
    tpu.enqueue_indirect_dma source(%dma_start3A_15 : memref<500000x128xf32, #tpu.memory_space<hbm>>) target(%arg7 : memref<64x128xf32, #tpu.memory_space<vmem>>) offsets(%dma_start3A_12 : memref<64xi32, #tpu.memory_space<vmem>>) semaphore(%arg15 : memref<!tpu.dma_semaphore, #tpu.memory_space<semaphore_mem>>)
    %dma_start3A_16 = arith.constant 2 : i32
    %dma_start3A_17 = arith.constant 0 : i32
    %dma_start3A_18 = tpu.memref_slice %arg5[%dma_start3A_16, %dma_start3A_17] : memref<400x64xi32, #tpu.memory_space<vmem>> -> memref<1x64xi32, #tpu.memory_space<vmem>>
    %dma_start3A_19 = tpu.memref_squeeze %dma_start3A_18 : memref<1x64xi32, #tpu.memory_space<vmem>> -> memref<64xi32, #tpu.memory_space<vmem>>
    %dma_start3A_20 = arith.constant 0 : i32
    %dma_start3A_21 = arith.constant 0 : i32
    %dma_start3A_22 = tpu.memref_slice %arg3[%dma_start3A_20, %dma_start3A_21] : memref<500000x128xf32, #tpu.memory_space<hbm>> -> memref<500000x128xf32, #tpu.memory_space<hbm>>
    tpu.enqueue_indirect_dma source(%dma_start3A_22 : memref<500000x128xf32, #tpu.memory_space<hbm>>) target(%arg8 : memref<64x128xf32, #tpu.memory_space<vmem>>) offsets(%dma_start3A_19 : memref<64xi32, #tpu.memory_space<vmem>>) semaphore(%arg16 : memref<!tpu.dma_semaphore, #tpu.memory_space<semaphore_mem>>)
    %dma_start3A_23 = arith.constant 3 : i32
    %dma_start3A_24 = arith.constant 0 : i32
    %dma_start3A_25 = tpu.memref_slice %arg5[%dma_start3A_23, %dma_start3A_24] : memref<400x64xi32, #tpu.memory_space<vmem>> -> memref<1x64xi32, #tpu.memory_space<vmem>>
    %dma_start3A_26 = tpu.memref_squeeze %dma_start3A_25 : memref<1x64xi32, #tpu.memory_space<vmem>> -> memref<64xi32, #tpu.memory_space<vmem>>
    %dma_start3A_27 = arith.constant 0 : i32
    %dma_start3A_28 = arith.constant 0 : i32
    %dma_start3A_29 = tpu.memref_slice %arg3[%dma_start3A_27, %dma_start3A_28] : memref<500000x128xf32, #tpu.memory_space<hbm>> -> memref<500000x128xf32, #tpu.memory_space<hbm>>
    tpu.enqueue_indirect_dma source(%dma_start3A_29 : memref<500000x128xf32, #tpu.memory_space<hbm>>) target(%arg9 : memref<64x128xf32, #tpu.memory_space<vmem>>) offsets(%dma_start3A_26 : memref<64xi32, #tpu.memory_space<vmem>>) semaphore(%arg17 : memref<!tpu.dma_semaphore, #tpu.memory_space<semaphore_mem>>)
    %dma_wait3A = arith.constant 0 : i32
    %dma_wait3A_30 = arith.constant 0 : i32
    %dma_wait3A_31 = tpu.memref_slice %arg5[%dma_wait3A, %dma_wait3A_30] : memref<400x64xi32, #tpu.memory_space<vmem>> -> memref<1x64xi32, #tpu.memory_space<vmem>>
    %dma_wait3A_32 = tpu.memref_squeeze %dma_wait3A_31 : memref<1x64xi32, #tpu.memory_space<vmem>> -> memref<64xi32, #tpu.memory_space<vmem>>
    %dma_wait3A_33 = arith.constant 0 : i32
    %dma_wait3A_34 = arith.constant 0 : i32
    %dma_wait3A_35 = tpu.memref_slice %arg3[%dma_wait3A_33, %dma_wait3A_34] : memref<500000x128xf32, #tpu.memory_space<hbm>> -> memref<500000x128xf32, #tpu.memory_space<hbm>>
    tpu.wait_indirect_dma semaphore(%arg14 : memref<!tpu.dma_semaphore, #tpu.memory_space<semaphore_mem>>) src(%dma_wait3A_35 : memref<500000x128xf32, #tpu.memory_space<hbm>>) dst(%arg6 : memref<64x128xf32, #tpu.memory_space<vmem>>)
    %add3A_36 = arith.constant 0 : i32
    %add3A_37 = arith.addi %mul3A_2, %add3A_36 : i32
    %dma_start3A_38 = arith.constant 0 : i32
    %dma_start3A_39 = tpu.memref_slice %arg4[%add3A_37, %dma_start3A_38] : memref<819200x128xf32, #tpu.memory_space<hbm>> -> memref<64x128xf32, #tpu.memory_space<hbm>>
    %dma_start3A_40 = arith.constant 0 : i32
    %dma_start3A_41 = tpu.memref_slice %arg4[%add3A_37, %dma_start3A_40] : memref<819200x128xf32, #tpu.memory_space<hbm>> -> memref<64x128xf32, #tpu.memory_space<hbm>>
    tpu.enqueue_dma source(%arg6 : memref<64x128xf32, #tpu.memory_space<vmem>>) target(%dma_start3A_41 : memref<64x128xf32, #tpu.memory_space<hbm>>) target_semaphore(%arg22 : memref<!tpu.dma_semaphore, #tpu.memory_space<semaphore_mem>>)
    %dma_start3A_42 = arith.constant 4 : i32
    %dma_start3A_43 = arith.constant 0 : i32
    %dma_start3A_44 = tpu.memref_slice %arg5[%dma_start3A_42, %dma_start3A_43] : memref<400x64xi32, #tpu.memory_space<vmem>> -> memref<1x64xi32, #tpu.memory_space<vmem>>
    %dma_start3A_45 = tpu.memref_squeeze %dma_start3A_44 : memref<1x64xi32, #tpu.memory_space<vmem>> -> memref<64xi32, #tpu.memory_space<vmem>>
    %dma_start3A_46 = arith.constant 0 : i32
    %dma_start3A_47 = arith.constant 0 : i32
    %dma_start3A_48 = tpu.memref_slice %arg3[%dma_start3A_46, %dma_start3A_47] : memref<500000x128xf32, #tpu.memory_space<hbm>> -> memref<500000x128xf32, #tpu.memory_space<hbm>>
    tpu.enqueue_indirect_dma source(%dma_start3A_48 : memref<500000x128xf32, #tpu.memory_space<hbm>>) target(%arg10 : memref<64x128xf32, #tpu.memory_space<vmem>>) offsets(%dma_start3A_45 : memref<64xi32, #tpu.memory_space<vmem>>) semaphore(%arg18 : memref<!tpu.dma_semaphore, #tpu.memory_space<semaphore_mem>>)
    %dma_wait3A_49 = arith.constant 1 : i32
    %dma_wait3A_50 = arith.constant 0 : i32
    %dma_wait3A_51 = tpu.memref_slice %arg5[%dma_wait3A_49, %dma_wait3A_50] : memref<400x64xi32, #tpu.memory_space<vmem>> -> memref<1x64xi32, #tpu.memory_space<vmem>>
    %dma_wait3A_52 = tpu.memref_squeeze %dma_wait3A_51 : memref<1x64xi32, #tpu.memory_space<vmem>> -> memref<64xi32, #tpu.memory_space<vmem>>
    %dma_wait3A_53 = arith.constant 0 : i32
    %dma_wait3A_54 = arith.constant 0 : i32
    %dma_wait3A_55 = tpu.memref_slice %arg3[%dma_wait3A_53, %dma_wait3A_54] : memref<500000x128xf32, #tpu.memory_space<hbm>> -> memref<500000x128xf32, #tpu.memory_space<hbm>>
    tpu.wait_indirect_dma semaphore(%arg15 : memref<!tpu.dma_semaphore, #tpu.memory_space<semaphore_mem>>) src(%dma_wait3A_55 : memref<500000x128xf32, #tpu.memory_space<hbm>>) dst(%arg7 : memref<64x128xf32, #tpu.memory_space<vmem>>)
    %add3A_56 = arith.constant 64 : i32
    %add3A_57 = arith.addi %mul3A_2, %add3A_56 : i32
    %dma_start3A_58 = arith.constant 0 : i32
    %dma_start3A_59 = tpu.memref_slice %arg4[%add3A_57, %dma_start3A_58] : memref<819200x128xf32, #tpu.memory_space<hbm>> -> memref<64x128xf32, #tpu.memory_space<hbm>>
    %dma_start3A_60 = arith.constant 0 : i32
    %dma_start3A_61 = tpu.memref_slice %arg4[%add3A_57, %dma_start3A_60] : memref<819200x128xf32, #tpu.memory_space<hbm>> -> memref<64x128xf32, #tpu.memory_space<hbm>>
    tpu.enqueue_dma source(%arg7 : memref<64x128xf32, #tpu.memory_space<vmem>>) target(%dma_start3A_61 : memref<64x128xf32, #tpu.memory_space<hbm>>) target_semaphore(%arg23 : memref<!tpu.dma_semaphore, #tpu.memory_space<semaphore_mem>>)
    %dma_start3A_62 = arith.constant 5 : i32
    %dma_start3A_63 = arith.constant 0 : i32
    %dma_start3A_64 = tpu.memref_slice %arg5[%dma_start3A_62, %dma_start3A_63] : memref<400x64xi32, #tpu.memory_space<vmem>> -> memref<1x64xi32, #tpu.memory_space<vmem>>
    %dma_start3A_65 = tpu.memref_squeeze %dma_start3A_64 : memref<1x64xi32, #tpu.memory_space<vmem>> -> memref<64xi32, #tpu.memory_space<vmem>>
    %dma_start3A_66 = arith.constant 0 : i32
    %dma_start3A_67 = arith.constant 0 : i32
    %dma_start3A_68 = tpu.memref_slice %arg3[%dma_start3A_66, %dma_start3A_67] : memref<500000x128xf32, #tpu.memory_space<hbm>> -> memref<500000x128xf32, #tpu.memory_space<hbm>>
    tpu.enqueue_indirect_dma source(%dma_start3A_68 : memref<500000x128xf32, #tpu.memory_space<hbm>>) target(%arg11 : memref<64x128xf32, #tpu.memory_space<vmem>>) offsets(%dma_start3A_65 : memref<64xi32, #tpu.memory_space<vmem>>) semaphore(%arg19 : memref<!tpu.dma_semaphore, #tpu.memory_space<semaphore_mem>>)
    %dma_wait3A_69 = arith.constant 2 : i32
    %dma_wait3A_70 = arith.constant 0 : i32
    %dma_wait3A_71 = tpu.memref_slice %arg5[%dma_wait3A_69, %dma_wait3A_70] : memref<400x64xi32, #tpu.memory_space<vmem>> -> memref<1x64xi32, #tpu.memory_space<vmem>>
    %dma_wait3A_72 = tpu.memref_squeeze %dma_wait3A_71 : memref<1x64xi32, #tpu.memory_space<vmem>> -> memref<64xi32, #tpu.memory_space<vmem>>
    %dma_wait3A_73 = arith.constant 0 : i32
    %dma_wait3A_74 = arith.constant 0 : i32
    %dma_wait3A_75 = tpu.memref_slice %arg3[%dma_wait3A_73, %dma_wait3A_74] : memref<500000x128xf32, #tpu.memory_space<hbm>> -> memref<500000x128xf32, #tpu.memory_space<hbm>>
    tpu.wait_indirect_dma semaphore(%arg16 : memref<!tpu.dma_semaphore, #tpu.memory_space<semaphore_mem>>) src(%dma_wait3A_75 : memref<500000x128xf32, #tpu.memory_space<hbm>>) dst(%arg8 : memref<64x128xf32, #tpu.memory_space<vmem>>)
    %add3A_76 = arith.constant 128 : i32
    %add3A_77 = arith.addi %mul3A_2, %add3A_76 : i32
    %dma_start3A_78 = arith.constant 0 : i32
    %dma_start3A_79 = tpu.memref_slice %arg4[%add3A_77, %dma_start3A_78] : memref<819200x128xf32, #tpu.memory_space<hbm>> -> memref<64x128xf32, #tpu.memory_space<hbm>>
    %dma_start3A_80 = arith.constant 0 : i32
    %dma_start3A_81 = tpu.memref_slice %arg4[%add3A_77, %dma_start3A_80] : memref<819200x128xf32, #tpu.memory_space<hbm>> -> memref<64x128xf32, #tpu.memory_space<hbm>>
    tpu.enqueue_dma source(%arg8 : memref<64x128xf32, #tpu.memory_space<vmem>>) target(%dma_start3A_81 : memref<64x128xf32, #tpu.memory_space<hbm>>) target_semaphore(%arg24 : memref<!tpu.dma_semaphore, #tpu.memory_space<semaphore_mem>>)
    %dma_start3A_82 = arith.constant 6 : i32
    %dma_start3A_83 = arith.constant 0 : i32
    %dma_start3A_84 = tpu.memref_slice %arg5[%dma_start3A_82, %dma_start3A_83] : memref<400x64xi32, #tpu.memory_space<vmem>> -> memref<1x64xi32, #tpu.memory_space<vmem>>
    %dma_start3A_85 = tpu.memref_squeeze %dma_start3A_84 : memref<1x64xi32, #tpu.memory_space<vmem>> -> memref<64xi32, #tpu.memory_space<vmem>>
    %dma_start3A_86 = arith.constant 0 : i32
    %dma_start3A_87 = arith.constant 0 : i32
    %dma_start3A_88 = tpu.memref_slice %arg3[%dma_start3A_86, %dma_start3A_87] : memref<500000x128xf32, #tpu.memory_space<hbm>> -> memref<500000x128xf32, #tpu.memory_space<hbm>>
    tpu.enqueue_indirect_dma source(%dma_start3A_88 : memref<500000x128xf32, #tpu.memory_space<hbm>>) target(%arg12 : memref<64x128xf32, #tpu.memory_space<vmem>>) offsets(%dma_start3A_85 : memref<64xi32, #tpu.memory_space<vmem>>) semaphore(%arg20 : memref<!tpu.dma_semaphore, #tpu.memory_space<semaphore_mem>>)
    %dma_wait3A_89 = arith.constant 3 : i32
    %dma_wait3A_90 = arith.constant 0 : i32
    %dma_wait3A_91 = tpu.memref_slice %arg5[%dma_wait3A_89, %dma_wait3A_90] : memref<400x64xi32, #tpu.memory_space<vmem>> -> memref<1x64xi32, #tpu.memory_space<vmem>>
    %dma_wait3A_92 = tpu.memref_squeeze %dma_wait3A_91 : memref<1x64xi32, #tpu.memory_space<vmem>> -> memref<64xi32, #tpu.memory_space<vmem>>
    %dma_wait3A_93 = arith.constant 0 : i32
    %dma_wait3A_94 = arith.constant 0 : i32
    %dma_wait3A_95 = tpu.memref_slice %arg3[%dma_wait3A_93, %dma_wait3A_94] : memref<500000x128xf32, #tpu.memory_space<hbm>> -> memref<500000x128xf32, #tpu.memory_space<hbm>>
    tpu.wait_indirect_dma semaphore(%arg17 : memref<!tpu.dma_semaphore, #tpu.memory_space<semaphore_mem>>) src(%dma_wait3A_95 : memref<500000x128xf32, #tpu.memory_space<hbm>>) dst(%arg9 : memref<64x128xf32, #tpu.memory_space<vmem>>)
    %add3A_96 = arith.constant 192 : i32
    %add3A_97 = arith.addi %mul3A_2, %add3A_96 : i32
    %dma_start3A_98 = arith.constant 0 : i32
    %dma_start3A_99 = tpu.memref_slice %arg4[%add3A_97, %dma_start3A_98] : memref<819200x128xf32, #tpu.memory_space<hbm>> -> memref<64x128xf32, #tpu.memory_space<hbm>>
    %dma_start3A_100 = arith.constant 0 : i32
    %dma_start3A_101 = tpu.memref_slice %arg4[%add3A_97, %dma_start3A_100] : memref<819200x128xf32, #tpu.memory_space<hbm>> -> memref<64x128xf32, #tpu.memory_space<hbm>>
    tpu.enqueue_dma source(%arg9 : memref<64x128xf32, #tpu.memory_space<vmem>>) target(%dma_start3A_101 : memref<64x128xf32, #tpu.memory_space<hbm>>) target_semaphore(%arg25 : memref<!tpu.dma_semaphore, #tpu.memory_space<semaphore_mem>>)
    %dma_start3A_102 = arith.constant 7 : i32
    %dma_start3A_103 = arith.constant 0 : i32
    %dma_start3A_104 = tpu.memref_slice %arg5[%dma_start3A_102, %dma_start3A_103] : memref<400x64xi32, #tpu.memory_space<vmem>> -> memref<1x64xi32, #tpu.memory_space<vmem>>
    %dma_start3A_105 = tpu.memref_squeeze %dma_start3A_104 : memref<1x64xi32, #tpu.memory_space<vmem>> -> memref<64xi32, #tpu.memory_space<vmem>>
    %dma_start3A_106 = arith.constant 0 : i32
    %dma_start3A_107 = arith.constant 0 : i32
    %dma_start3A_108 = tpu.memref_slice %arg3[%dma_start3A_106, %dma_start3A_107] : memref<500000x128xf32, #tpu.memory_space<hbm>> -> memref<500000x128xf32, #tpu.memory_space<hbm>>
    tpu.enqueue_indirect_dma source(%dma_start3A_108 : memref<500000x128xf32, #tpu.memory_space<hbm>>) target(%arg13 : memref<64x128xf32, #tpu.memory_space<vmem>>) offsets(%dma_start3A_105 : memref<64xi32, #tpu.memory_space<vmem>>) semaphore(%arg21 : memref<!tpu.dma_semaphore, #tpu.memory_space<semaphore_mem>>)
    %dma_wait3A_109 = arith.constant 4 : i32
    %dma_wait3A_110 = arith.constant 0 : i32
    %dma_wait3A_111 = tpu.memref_slice %arg5[%dma_wait3A_109, %dma_wait3A_110] : memref<400x64xi32, #tpu.memory_space<vmem>> -> memref<1x64xi32, #tpu.memory_space<vmem>>
    %dma_wait3A_112 = tpu.memref_squeeze %dma_wait3A_111 : memref<1x64xi32, #tpu.memory_space<vmem>> -> memref<64xi32, #tpu.memory_space<vmem>>
    %dma_wait3A_113 = arith.constant 0 : i32
    %dma_wait3A_114 = arith.constant 0 : i32
    %dma_wait3A_115 = tpu.memref_slice %arg3[%dma_wait3A_113, %dma_wait3A_114] : memref<500000x128xf32, #tpu.memory_space<hbm>> -> memref<500000x128xf32, #tpu.memory_space<hbm>>
    tpu.wait_indirect_dma semaphore(%arg18 : memref<!tpu.dma_semaphore, #tpu.memory_space<semaphore_mem>>) src(%dma_wait3A_115 : memref<500000x128xf32, #tpu.memory_space<hbm>>) dst(%arg10 : memref<64x128xf32, #tpu.memory_space<vmem>>)
    %add3A_116 = arith.constant 256 : i32
    %add3A_117 = arith.addi %mul3A_2, %add3A_116 : i32
    %dma_start3A_118 = arith.constant 0 : i32
    %dma_start3A_119 = tpu.memref_slice %arg4[%add3A_117, %dma_start3A_118] : memref<819200x128xf32, #tpu.memory_space<hbm>> -> memref<64x128xf32, #tpu.memory_space<hbm>>
    %dma_start3A_120 = arith.constant 0 : i32
    %dma_start3A_121 = tpu.memref_slice %arg4[%add3A_117, %dma_start3A_120] : memref<819200x128xf32, #tpu.memory_space<hbm>> -> memref<64x128xf32, #tpu.memory_space<hbm>>
    tpu.enqueue_dma source(%arg10 : memref<64x128xf32, #tpu.memory_space<vmem>>) target(%dma_start3A_121 : memref<64x128xf32, #tpu.memory_space<hbm>>) target_semaphore(%arg26 : memref<!tpu.dma_semaphore, #tpu.memory_space<semaphore_mem>>)
    %dma_wait3A_122 = arith.constant 0 : i32
    %dma_wait3A_123 = tpu.memref_slice %arg4[%mul3A_2, %dma_wait3A_122] : memref<819200x128xf32, #tpu.memory_space<hbm>> -> memref<64x128xf32, #tpu.memory_space<hbm>>
    %dma_wait3A_124 = arith.constant 0 : i32
    %dma_wait3A_125 = tpu.memref_slice %arg4[%mul3A_2, %dma_wait3A_124] : memref<819200x128xf32, #tpu.memory_space<hbm>> -> memref<64x128xf32, #tpu.memory_space<hbm>>
    tpu.wait_dma2 semaphore(%arg22 : memref<!tpu.dma_semaphore, #tpu.memory_space<semaphore_mem>>) src(%arg6 : memref<64x128xf32, #tpu.memory_space<vmem>>) dst(%dma_wait3A_125 : memref<64x128xf32, #tpu.memory_space<hbm>>)
    %dma_start3A_126 = arith.constant 8 : i32
    %dma_start3A_127 = arith.constant 0 : i32
    %dma_start3A_128 = tpu.memref_slice %arg5[%dma_start3A_126, %dma_start3A_127] : memref<400x64xi32, #tpu.memory_space<vmem>> -> memref<1x64xi32, #tpu.memory_space<vmem>>
    %dma_start3A_129 = tpu.memref_squeeze %dma_start3A_128 : memref<1x64xi32, #tpu.memory_space<vmem>> -> memref<64xi32, #tpu.memory_space<vmem>>
    %dma_start3A_130 = arith.constant 0 : i32
    %dma_start3A_131 = arith.constant 0 : i32
    %dma_start3A_132 = tpu.memref_slice %arg3[%dma_start3A_130, %dma_start3A_131] : memref<500000x128xf32, #tpu.memory_space<hbm>> -> memref<500000x128xf32, #tpu.memory_space<hbm>>
    tpu.enqueue_indirect_dma source(%dma_start3A_132 : memref<500000x128xf32, #tpu.memory_space<hbm>>) target(%arg6 : memref<64x128xf32, #tpu.memory_space<vmem>>) offsets(%dma_start3A_129 : memref<64xi32, #tpu.memory_space<vmem>>) semaphore(%arg14 : memref<!tpu.dma_semaphore, #tpu.memory_space<semaphore_mem>>)
    %dma_wait3A_133 = arith.constant 5 : i32
    %dma_wait3A_134 = arith.constant 0 : i32
    %dma_wait3A_135 = tpu.memref_slice %arg5[%dma_wait3A_133, %dma_wait3A_134] : memref<400x64xi32, #tpu.memory_space<vmem>> -> memref<1x64xi32, #tpu.memory_space<vmem>>
    %dma_wait3A_136 = tpu.memref_squeeze %dma_wait3A_135 : memref<1x64xi32, #tpu.memory_space<vmem>> -> memref<64xi32, #tpu.memory_space<vmem>>
    %dma_wait3A_137 = arith.constant 0 : i32
    %dma_wait3A_138 = arith.constant 0 : i32
    %dma_wait3A_139 = tpu.memref_slice %arg3[%dma_wait3A_137, %dma_wait3A_138] : memref<500000x128xf32, #tpu.memory_space<hbm>> -> memref<500000x128xf32, #tpu.memory_space<hbm>>
    tpu.wait_indirect_dma semaphore(%arg19 : memref<!tpu.dma_semaphore, #tpu.memory_space<semaphore_mem>>) src(%dma_wait3A_139 : memref<500000x128xf32, #tpu.memory_space<hbm>>) dst(%arg11 : memref<64x128xf32, #tpu.memory_space<vmem>>)
    %add3A_140 = arith.constant 320 : i32
    %add3A_141 = arith.addi %mul3A_2, %add3A_140 : i32
    %dma_start3A_142 = arith.constant 0 : i32
    %dma_start3A_143 = tpu.memref_slice %arg4[%add3A_141, %dma_start3A_142] : memref<819200x128xf32, #tpu.memory_space<hbm>> -> memref<64x128xf32, #tpu.memory_space<hbm>>
    %dma_start3A_144 = arith.constant 0 : i32
    %dma_start3A_145 = tpu.memref_slice %arg4[%add3A_141, %dma_start3A_144] : memref<819200x128xf32, #tpu.memory_space<hbm>> -> memref<64x128xf32, #tpu.memory_space<hbm>>
    tpu.enqueue_dma source(%arg11 : memref<64x128xf32, #tpu.memory_space<vmem>>) target(%dma_start3A_145 : memref<64x128xf32, #tpu.memory_space<hbm>>) target_semaphore(%arg27 : memref<!tpu.dma_semaphore, #tpu.memory_space<semaphore_mem>>)
    %dma_wait3A_146 = arith.constant 0 : i32
    %dma_wait3A_147 = tpu.memref_slice %arg4[%mul3A_2, %dma_wait3A_146] : memref<819200x128xf32, #tpu.memory_space<hbm>> -> memref<64x128xf32, #tpu.memory_space<hbm>>
    %dma_wait3A_148 = arith.constant 0 : i32
    %dma_wait3A_149 = tpu.memref_slice %arg4[%mul3A_2, %dma_wait3A_148] : memref<819200x128xf32, #tpu.memory_space<hbm>> -> memref<64x128xf32, #tpu.memory_space<hbm>>
    tpu.wait_dma2 semaphore(%arg23 : memref<!tpu.dma_semaphore, #tpu.memory_space<semaphore_mem>>) src(%arg7 : memref<64x128xf32, #tpu.memory_space<vmem>>) dst(%dma_wait3A_149 : memref<64x128xf32, #tpu.memory_space<hbm>>)
    %dma_start3A_150 = arith.constant 9 : i32
    %dma_start3A_151 = arith.constant 0 : i32
    %dma_start3A_152 = tpu.memref_slice %arg5[%dma_start3A_150, %dma_start3A_151] : memref<400x64xi32, #tpu.memory_space<vmem>> -> memref<1x64xi32, #tpu.memory_space<vmem>>
    %dma_start3A_153 = tpu.memref_squeeze %dma_start3A_152 : memref<1x64xi32, #tpu.memory_space<vmem>> -> memref<64xi32, #tpu.memory_space<vmem>>
    %dma_start3A_154 = arith.constant 0 : i32
    %dma_start3A_155 = arith.constant 0 : i32
    %dma_start3A_156 = tpu.memref_slice %arg3[%dma_start3A_154, %dma_start3A_155] : memref<500000x128xf32, #tpu.memory_space<hbm>> -> memref<500000x128xf32, #tpu.memory_space<hbm>>
    tpu.enqueue_indirect_dma source(%dma_start3A_156 : memref<500000x128xf32, #tpu.memory_space<hbm>>) target(%arg7 : memref<64x128xf32, #tpu.memory_space<vmem>>) offsets(%dma_start3A_153 : memref<64xi32, #tpu.memory_space<vmem>>) semaphore(%arg15 : memref<!tpu.dma_semaphore, #tpu.memory_space<semaphore_mem>>)
    %dma_wait3A_157 = arith.constant 6 : i32
    %dma_wait3A_158 = arith.constant 0 : i32
    %dma_wait3A_159 = tpu.memref_slice %arg5[%dma_wait3A_157, %dma_wait3A_158] : memref<400x64xi32, #tpu.memory_space<vmem>> -> memref<1x64xi32, #tpu.memory_space<vmem>>
    %dma_wait3A_160 = tpu.memref_squeeze %dma_wait3A_159 : memref<1x64xi32, #tpu.memory_space<vmem>> -> memref<64xi32, #tpu.memory_space<vmem>>
    %dma_wait3A_161 = arith.constant 0 : i32
    %dma_wait3A_162 = arith.constant 0 : i32
    %dma_wait3A_163 = tpu.memref_slice %arg3[%dma_wait3A_161, %dma_wait3A_162] : memref<500000x128xf32, #tpu.memory_space<hbm>> -> memref<500000x128xf32, #tpu.memory_space<hbm>>
    tpu.wait_indirect_dma semaphore(%arg20 : memref<!tpu.dma_semaphore, #tpu.memory_space<semaphore_mem>>) src(%dma_wait3A_163 : memref<500000x128xf32, #tpu.memory_space<hbm>>) dst(%arg12 : memref<64x128xf32, #tpu.memory_space<vmem>>)
    %add3A_164 = arith.constant 384 : i32
    %add3A_165 = arith.addi %mul3A_2, %add3A_164 : i32
    %dma_start3A_166 = arith.constant 0 : i32
    %dma_start3A_167 = tpu.memref_slice %arg4[%add3A_165, %dma_start3A_166] : memref<819200x128xf32, #tpu.memory_space<hbm>> -> memref<64x128xf32, #tpu.memory_space<hbm>>
    %dma_start3A_168 = arith.constant 0 : i32
    %dma_start3A_169 = tpu.memref_slice %arg4[%add3A_165, %dma_start3A_168] : memref<819200x128xf32, #tpu.memory_space<hbm>> -> memref<64x128xf32, #tpu.memory_space<hbm>>
    tpu.enqueue_dma source(%arg12 : memref<64x128xf32, #tpu.memory_space<vmem>>) target(%dma_start3A_169 : memref<64x128xf32, #tpu.memory_space<hbm>>) target_semaphore(%arg28 : memref<!tpu.dma_semaphore, #tpu.memory_space<semaphore_mem>>)
    %dma_wait3A_170 = arith.constant 0 : i32
    %dma_wait3A_171 = tpu.memref_slice %arg4[%mul3A_2, %dma_wait3A_170] : memref<819200x128xf32, #tpu.memory_space<hbm>> -> memref<64x128xf32, #tpu.memory_space<hbm>>
    %dma_wait3A_172 = arith.constant 0 : i32
    %dma_wait3A_173 = tpu.memref_slice %arg4[%mul3A_2, %dma_wait3A_172] : memref<819200x128xf32, #tpu.memory_space<hbm>> -> memref<64x128xf32, #tpu.memory_space<hbm>>
    tpu.wait_dma2 semaphore(%arg24 : memref<!tpu.dma_semaphore, #tpu.memory_space<semaphore_mem>>) src(%arg8 : memref<64x128xf32, #tpu.memory_space<vmem>>) dst(%dma_wait3A_173 : memref<64x128xf32, #tpu.memory_space<hbm>>)
    %dma_start3A_174 = arith.constant 10 : i32
    %dma_start3A_175 = arith.constant 0 : i32
    %dma_start3A_176 = tpu.memref_slice %arg5[%dma_start3A_174, %dma_start3A_175] : memref<400x64xi32, #tpu.memory_space<vmem>> -> memref<1x64xi32, #tpu.memory_space<vmem>>
    %dma_start3A_177 = tpu.memref_squeeze %dma_start3A_176 : memref<1x64xi32, #tpu.memory_space<vmem>> -> memref<64xi32, #tpu.memory_space<vmem>>
    %dma_start3A_178 = arith.constant 0 : i32
    %dma_start3A_179 = arith.constant 0 : i32
    %dma_start3A_180 = tpu.memref_slice %arg3[%dma_start3A_178, %dma_start3A_179] : memref<500000x128xf32, #tpu.memory_space<hbm>> -> memref<500000x128xf32, #tpu.memory_space<hbm>>
    tpu.enqueue_indirect_dma source(%dma_start3A_180 : memref<500000x128xf32, #tpu.memory_space<hbm>>) target(%arg8 : memref<64x128xf32, #tpu.memory_space<vmem>>) offsets(%dma_start3A_177 : memref<64xi32, #tpu.memory_space<vmem>>) semaphore(%arg16 : memref<!tpu.dma_semaphore, #tpu.memory_space<semaphore_mem>>)
    %dma_wait3A_181 = arith.constant 7 : i32
    %dma_wait3A_182 = arith.constant 0 : i32
    %dma_wait3A_183 = tpu.memref_slice %arg5[%dma_wait3A_181, %dma_wait3A_182] : memref<400x64xi32, #tpu.memory_space<vmem>> -> memref<1x64xi32, #tpu.memory_space<vmem>>
    %dma_wait3A_184 = tpu.memref_squeeze %dma_wait3A_183 : memref<1x64xi32, #tpu.memory_space<vmem>> -> memref<64xi32, #tpu.memory_space<vmem>>
    %dma_wait3A_185 = arith.constant 0 : i32
    %dma_wait3A_186 = arith.constant 0 : i32
    %dma_wait3A_187 = tpu.memref_slice %arg3[%dma_wait3A_185, %dma_wait3A_186] : memref<500000x128xf32, #tpu.memory_space<hbm>> -> memref<500000x128xf32, #tpu.memory_space<hbm>>
    tpu.wait_indirect_dma semaphore(%arg21 : memref<!tpu.dma_semaphore, #tpu.memory_space<semaphore_mem>>) src(%dma_wait3A_187 : memref<500000x128xf32, #tpu.memory_space<hbm>>) dst(%arg13 : memref<64x128xf32, #tpu.memory_space<vmem>>)
    %add3A_188 = arith.constant 448 : i32
    %add3A_189 = arith.addi %mul3A_2, %add3A_188 : i32
    %dma_start3A_190 = arith.constant 0 : i32
    %dma_start3A_191 = tpu.memref_slice %arg4[%add3A_189, %dma_start3A_190] : memref<819200x128xf32, #tpu.memory_space<hbm>> -> memref<64x128xf32, #tpu.memory_space<hbm>>
    %dma_start3A_192 = arith.constant 0 : i32
    %dma_start3A_193 = tpu.memref_slice %arg4[%add3A_189, %dma_start3A_192] : memref<819200x128xf32, #tpu.memory_space<hbm>> -> memref<64x128xf32, #tpu.memory_space<hbm>>
    tpu.enqueue_dma source(%arg13 : memref<64x128xf32, #tpu.memory_space<vmem>>) target(%dma_start3A_193 : memref<64x128xf32, #tpu.memory_space<hbm>>) target_semaphore(%arg29 : memref<!tpu.dma_semaphore, #tpu.memory_space<semaphore_mem>>)
    %dma_wait3A_194 = arith.constant 0 : i32
    %dma_wait3A_195 = tpu.memref_slice %arg4[%mul3A_2, %dma_wait3A_194] : memref<819200x128xf32, #tpu.memory_space<hbm>> -> memref<64x128xf32, #tpu.memory_space<hbm>>
    %dma_wait3A_196 = arith.constant 0 : i32
    %dma_wait3A_197 = tpu.memref_slice %arg4[%mul3A_2, %dma_wait3A_196] : memref<819200x128xf32, #tpu.memory_space<hbm>> -> memref<64x128xf32, #tpu.memory_space<hbm>>
    tpu.wait_dma2 semaphore(%arg25 : memref<!tpu.dma_semaphore, #tpu.memory_space<semaphore_mem>>) src(%arg9 : memref<64x128xf32, #tpu.memory_space<vmem>>) dst(%dma_wait3A_197 : memref<64x128xf32, #tpu.memory_space<hbm>>)
    %dma_start3A_198 = arith.constant 11 : i32
    %dma_start3A_199 = arith.constant 0 : i32
    %dma_start3A_200 = tpu.memref_slice %arg5[%dma_start3A_198, %dma_start3A_199] : memref<400x64xi32, #tpu.memory_space<vmem>> -> memref<1x64xi32, #tpu.memory_space<vmem>>
    %dma_start3A_201 = tpu.memref_squeeze %dma_start3A_200 : memref<1x64xi32, #tpu.memory_space<vmem>> -> memref<64xi32, #tpu.memory_space<vmem>>
    %dma_start3A_202 = arith.constant 0 : i32
    %dma_start3A_203 = arith.constant 0 : i32
    %dma_start3A_204 = tpu.memref_slice %arg3[%dma_start3A_202, %dma_start3A_203] : memref<500000x128xf32, #tpu.memory_space<hbm>> -> memref<500000x128xf32, #tpu.memory_space<hbm>>
    tpu.enqueue_indirect_dma source(%dma_start3A_204 : memref<500000x128xf32, #tpu.memory_space<hbm>>) target(%arg9 : memref<64x128xf32, #tpu.memory_space<vmem>>) offsets(%dma_start3A_201 : memref<64xi32, #tpu.memory_space<vmem>>) semaphore(%arg17 : memref<!tpu.dma_semaphore, #tpu.memory_space<semaphore_mem>>)
    %scan3A = arith.constant 0 : i32
    %scan3A_205 = arith.constant 1 : i32
    %scan3A_206 = arith.constant 48 : i32
    %scan3A_207 = arith.addi %scan3A_205, %scan3A_206 : i32
    %scan3A_208 = arith.constant 1 : i32
    scf.for %scan3A_374 = %scan3A_205 to %scan3A_207 step %scan3A_208  : i32 {
      %mul3A_375 = arith.constant 8 : i32
      %mul3A_376 = arith.muli %scan3A_374, %mul3A_375 : i32
      %add3A_377 = arith.constant 0 : i32
      %add3A_378 = arith.addi %mul3A_376, %add3A_377 : i32
      %dma_wait3A_379 = arith.constant 0 : i32
      %dma_wait3A_380 = tpu.memref_slice %arg5[%add3A_378, %dma_wait3A_379] : memref<400x64xi32, #tpu.memory_space<vmem>> -> memref<1x64xi32, #tpu.memory_space<vmem>>
      %dma_wait3A_381 = tpu.memref_squeeze %dma_wait3A_380 : memref<1x64xi32, #tpu.memory_space<vmem>> -> memref<64xi32, #tpu.memory_space<vmem>>
      %dma_wait3A_382 = arith.constant 0 : i32
      %dma_wait3A_383 = arith.constant 0 : i32
      %dma_wait3A_384 = tpu.memref_slice %arg3[%dma_wait3A_382, %dma_wait3A_383] : memref<500000x128xf32, #tpu.memory_space<hbm>> -> memref<500000x128xf32, #tpu.memory_space<hbm>>
      tpu.wait_indirect_dma semaphore(%arg14 : memref<!tpu.dma_semaphore, #tpu.memory_space<semaphore_mem>>) src(%dma_wait3A_384 : memref<500000x128xf32, #tpu.memory_space<hbm>>) dst(%arg6 : memref<64x128xf32, #tpu.memory_space<vmem>>)
      %mul3A_385 = arith.constant 64 : i32
      %mul3A_386 = arith.muli %add3A_378, %mul3A_385 : i32
      %add3A_387 = arith.addi %mul3A_2, %mul3A_386 : i32
      %dma_start3A_388 = arith.constant 0 : i32
      %dma_start3A_389 = tpu.memref_slice %arg4[%add3A_387, %dma_start3A_388] : memref<819200x128xf32, #tpu.memory_space<hbm>> -> memref<64x128xf32, #tpu.memory_space<hbm>>
      %dma_start3A_390 = arith.constant 0 : i32
      %dma_start3A_391 = tpu.memref_slice %arg4[%add3A_387, %dma_start3A_390] : memref<819200x128xf32, #tpu.memory_space<hbm>> -> memref<64x128xf32, #tpu.memory_space<hbm>>
      tpu.enqueue_dma source(%arg6 : memref<64x128xf32, #tpu.memory_space<vmem>>) target(%dma_start3A_391 : memref<64x128xf32, #tpu.memory_space<hbm>>) target_semaphore(%arg22 : memref<!tpu.dma_semaphore, #tpu.memory_space<semaphore_mem>>)
      %dma_wait3A_392 = arith.constant 0 : i32
      %dma_wait3A_393 = tpu.memref_slice %arg4[%mul3A_2, %dma_wait3A_392] : memref<819200x128xf32, #tpu.memory_space<hbm>> -> memref<64x128xf32, #tpu.memory_space<hbm>>
      %dma_wait3A_394 = arith.constant 0 : i32
      %dma_wait3A_395 = tpu.memref_slice %arg4[%mul3A_2, %dma_wait3A_394] : memref<819200x128xf32, #tpu.memory_space<hbm>> -> memref<64x128xf32, #tpu.memory_space<hbm>>
      tpu.wait_dma2 semaphore(%arg26 : memref<!tpu.dma_semaphore, #tpu.memory_space<semaphore_mem>>) src(%arg10 : memref<64x128xf32, #tpu.memory_space<vmem>>) dst(%dma_wait3A_395 : memref<64x128xf32, #tpu.memory_space<hbm>>)
      %add3A_396 = arith.constant 4 : i32
      %add3A_397 = arith.addi %add3A_378, %add3A_396 : i32
      %dma_start3A_398 = arith.constant 0 : i32
      %dma_start3A_399 = tpu.memref_slice %arg5[%add3A_397, %dma_start3A_398] : memref<400x64xi32, #tpu.memory_space<vmem>> -> memref<1x64xi32, #tpu.memory_space<vmem>>
      %dma_start3A_400 = tpu.memref_squeeze %dma_start3A_399 : memref<1x64xi32, #tpu.memory_space<vmem>> -> memref<64xi32, #tpu.memory_space<vmem>>
      %dma_start3A_401 = arith.constant 0 : i32
      %dma_start3A_402 = arith.constant 0 : i32
      %dma_start3A_403 = tpu.memref_slice %arg3[%dma_start3A_401, %dma_start3A_402] : memref<500000x128xf32, #tpu.memory_space<hbm>> -> memref<500000x128xf32, #tpu.memory_space<hbm>>
      tpu.enqueue_indirect_dma source(%dma_start3A_403 : memref<500000x128xf32, #tpu.memory_space<hbm>>) target(%arg10 : memref<64x128xf32, #tpu.memory_space<vmem>>) offsets(%dma_start3A_400 : memref<64xi32, #tpu.memory_space<vmem>>) semaphore(%arg18 : memref<!tpu.dma_semaphore, #tpu.memory_space<semaphore_mem>>)
      %mul3A_404 = arith.constant 8 : i32
      %mul3A_405 = arith.muli %scan3A_374, %mul3A_404 : i32
      %add3A_406 = arith.constant 1 : i32
      %add3A_407 = arith.addi %mul3A_405, %add3A_406 : i32
      %dma_wait3A_408 = arith.constant 0 : i32
      %dma_wait3A_409 = tpu.memref_slice %arg5[%add3A_407, %dma_wait3A_408] : memref<400x64xi32, #tpu.memory_space<vmem>> -> memref<1x64xi32, #tpu.memory_space<vmem>>
      %dma_wait3A_410 = tpu.memref_squeeze %dma_wait3A_409 : memref<1x64xi32, #tpu.memory_space<vmem>> -> memref<64xi32, #tpu.memory_space<vmem>>
      %dma_wait3A_411 = arith.constant 0 : i32
      %dma_wait3A_412 = arith.constant 0 : i32
      %dma_wait3A_413 = tpu.memref_slice %arg3[%dma_wait3A_411, %dma_wait3A_412] : memref<500000x128xf32, #tpu.memory_space<hbm>> -> memref<500000x128xf32, #tpu.memory_space<hbm>>
      tpu.wait_indirect_dma semaphore(%arg15 : memref<!tpu.dma_semaphore, #tpu.memory_space<semaphore_mem>>) src(%dma_wait3A_413 : memref<500000x128xf32, #tpu.memory_space<hbm>>) dst(%arg7 : memref<64x128xf32, #tpu.memory_space<vmem>>)
      %mul3A_414 = arith.constant 64 : i32
      %mul3A_415 = arith.muli %add3A_407, %mul3A_414 : i32
      %add3A_416 = arith.addi %mul3A_2, %mul3A_415 : i32
      %dma_start3A_417 = arith.constant 0 : i32
      %dma_start3A_418 = tpu.memref_slice %arg4[%add3A_416, %dma_start3A_417] : memref<819200x128xf32, #tpu.memory_space<hbm>> -> memref<64x128xf32, #tpu.memory_space<hbm>>
      %dma_start3A_419 = arith.constant 0 : i32
      %dma_start3A_420 = tpu.memref_slice %arg4[%add3A_416, %dma_start3A_419] : memref<819200x128xf32, #tpu.memory_space<hbm>> -> memref<64x128xf32, #tpu.memory_space<hbm>>
      tpu.enqueue_dma source(%arg7 : memref<64x128xf32, #tpu.memory_space<vmem>>) target(%dma_start3A_420 : memref<64x128xf32, #tpu.memory_space<hbm>>) target_semaphore(%arg23 : memref<!tpu.dma_semaphore, #tpu.memory_space<semaphore_mem>>)
      %dma_wait3A_421 = arith.constant 0 : i32
      %dma_wait3A_422 = tpu.memref_slice %arg4[%mul3A_2, %dma_wait3A_421] : memref<819200x128xf32, #tpu.memory_space<hbm>> -> memref<64x128xf32, #tpu.memory_space<hbm>>
      %dma_wait3A_423 = arith.constant 0 : i32
      %dma_wait3A_424 = tpu.memref_slice %arg4[%mul3A_2, %dma_wait3A_423] : memref<819200x128xf32, #tpu.memory_space<hbm>> -> memref<64x128xf32, #tpu.memory_space<hbm>>
      tpu.wait_dma2 semaphore(%arg27 : memref<!tpu.dma_semaphore, #tpu.memory_space<semaphore_mem>>) src(%arg11 : memref<64x128xf32, #tpu.memory_space<vmem>>) dst(%dma_wait3A_424 : memref<64x128xf32, #tpu.memory_space<hbm>>)
      %add3A_425 = arith.constant 4 : i32
      %add3A_426 = arith.addi %add3A_407, %add3A_425 : i32
      %dma_start3A_427 = arith.constant 0 : i32
      %dma_start3A_428 = tpu.memref_slice %arg5[%add3A_426, %dma_start3A_427] : memref<400x64xi32, #tpu.memory_space<vmem>> -> memref<1x64xi32, #tpu.memory_space<vmem>>
      %dma_start3A_429 = tpu.memref_squeeze %dma_start3A_428 : memref<1x64xi32, #tpu.memory_space<vmem>> -> memref<64xi32, #tpu.memory_space<vmem>>
      %dma_start3A_430 = arith.constant 0 : i32
      %dma_start3A_431 = arith.constant 0 : i32
      %dma_start3A_432 = tpu.memref_slice %arg3[%dma_start3A_430, %dma_start3A_431] : memref<500000x128xf32, #tpu.memory_space<hbm>> -> memref<500000x128xf32, #tpu.memory_space<hbm>>
      tpu.enqueue_indirect_dma source(%dma_start3A_432 : memref<500000x128xf32, #tpu.memory_space<hbm>>) target(%arg11 : memref<64x128xf32, #tpu.memory_space<vmem>>) offsets(%dma_start3A_429 : memref<64xi32, #tpu.memory_space<vmem>>) semaphore(%arg19 : memref<!tpu.dma_semaphore, #tpu.memory_space<semaphore_mem>>)
      %mul3A_433 = arith.constant 8 : i32
      %mul3A_434 = arith.muli %scan3A_374, %mul3A_433 : i32
      %add3A_435 = arith.constant 2 : i32
      %add3A_436 = arith.addi %mul3A_434, %add3A_435 : i32
      %dma_wait3A_437 = arith.constant 0 : i32
      %dma_wait3A_438 = tpu.memref_slice %arg5[%add3A_436, %dma_wait3A_437] : memref<400x64xi32, #tpu.memory_space<vmem>> -> memref<1x64xi32, #tpu.memory_space<vmem>>
      %dma_wait3A_439 = tpu.memref_squeeze %dma_wait3A_438 : memref<1x64xi32, #tpu.memory_space<vmem>> -> memref<64xi32, #tpu.memory_space<vmem>>
      %dma_wait3A_440 = arith.constant 0 : i32
      %dma_wait3A_441 = arith.constant 0 : i32
      %dma_wait3A_442 = tpu.memref_slice %arg3[%dma_wait3A_440, %dma_wait3A_441] : memref<500000x128xf32, #tpu.memory_space<hbm>> -> memref<500000x128xf32, #tpu.memory_space<hbm>>
      tpu.wait_indirect_dma semaphore(%arg16 : memref<!tpu.dma_semaphore, #tpu.memory_space<semaphore_mem>>) src(%dma_wait3A_442 : memref<500000x128xf32, #tpu.memory_space<hbm>>) dst(%arg8 : memref<64x128xf32, #tpu.memory_space<vmem>>)
      %mul3A_443 = arith.constant 64 : i32
      %mul3A_444 = arith.muli %add3A_436, %mul3A_443 : i32
      %add3A_445 = arith.addi %mul3A_2, %mul3A_444 : i32
      %dma_start3A_446 = arith.constant 0 : i32
      %dma_start3A_447 = tpu.memref_slice %arg4[%add3A_445, %dma_start3A_446] : memref<819200x128xf32, #tpu.memory_space<hbm>> -> memref<64x128xf32, #tpu.memory_space<hbm>>
      %dma_start3A_448 = arith.constant 0 : i32
      %dma_start3A_449 = tpu.memref_slice %arg4[%add3A_445, %dma_start3A_448] : memref<819200x128xf32, #tpu.memory_space<hbm>> -> memref<64x128xf32, #tpu.memory_space<hbm>>
      tpu.enqueue_dma source(%arg8 : memref<64x128xf32, #tpu.memory_space<vmem>>) target(%dma_start3A_449 : memref<64x128xf32, #tpu.memory_space<hbm>>) target_semaphore(%arg24 : memref<!tpu.dma_semaphore, #tpu.memory_space<semaphore_mem>>)
      %dma_wait3A_450 = arith.constant 0 : i32
      %dma_wait3A_451 = tpu.memref_slice %arg4[%mul3A_2, %dma_wait3A_450] : memref<819200x128xf32, #tpu.memory_space<hbm>> -> memref<64x128xf32, #tpu.memory_space<hbm>>
      %dma_wait3A_452 = arith.constant 0 : i32
      %dma_wait3A_453 = tpu.memref_slice %arg4[%mul3A_2, %dma_wait3A_452] : memref<819200x128xf32, #tpu.memory_space<hbm>> -> memref<64x128xf32, #tpu.memory_space<hbm>>
      tpu.wait_dma2 semaphore(%arg28 : memref<!tpu.dma_semaphore, #tpu.memory_space<semaphore_mem>>) src(%arg12 : memref<64x128xf32, #tpu.memory_space<vmem>>) dst(%dma_wait3A_453 : memref<64x128xf32, #tpu.memory_space<hbm>>)
      %add3A_454 = arith.constant 4 : i32
      %add3A_455 = arith.addi %add3A_436, %add3A_454 : i32
      %dma_start3A_456 = arith.constant 0 : i32
      %dma_start3A_457 = tpu.memref_slice %arg5[%add3A_455, %dma_start3A_456] : memref<400x64xi32, #tpu.memory_space<vmem>> -> memref<1x64xi32, #tpu.memory_space<vmem>>
      %dma_start3A_458 = tpu.memref_squeeze %dma_start3A_457 : memref<1x64xi32, #tpu.memory_space<vmem>> -> memref<64xi32, #tpu.memory_space<vmem>>
      %dma_start3A_459 = arith.constant 0 : i32
      %dma_start3A_460 = arith.constant 0 : i32
      %dma_start3A_461 = tpu.memref_slice %arg3[%dma_start3A_459, %dma_start3A_460] : memref<500000x128xf32, #tpu.memory_space<hbm>> -> memref<500000x128xf32, #tpu.memory_space<hbm>>
      tpu.enqueue_indirect_dma source(%dma_start3A_461 : memref<500000x128xf32, #tpu.memory_space<hbm>>) target(%arg12 : memref<64x128xf32, #tpu.memory_space<vmem>>) offsets(%dma_start3A_458 : memref<64xi32, #tpu.memory_space<vmem>>) semaphore(%arg20 : memref<!tpu.dma_semaphore, #tpu.memory_space<semaphore_mem>>)
      %mul3A_462 = arith.constant 8 : i32
      %mul3A_463 = arith.muli %scan3A_374, %mul3A_462 : i32
      %add3A_464 = arith.constant 3 : i32
      %add3A_465 = arith.addi %mul3A_463, %add3A_464 : i32
      %dma_wait3A_466 = arith.constant 0 : i32
      %dma_wait3A_467 = tpu.memref_slice %arg5[%add3A_465, %dma_wait3A_466] : memref<400x64xi32, #tpu.memory_space<vmem>> -> memref<1x64xi32, #tpu.memory_space<vmem>>
      %dma_wait3A_468 = tpu.memref_squeeze %dma_wait3A_467 : memref<1x64xi32, #tpu.memory_space<vmem>> -> memref<64xi32, #tpu.memory_space<vmem>>
      %dma_wait3A_469 = arith.constant 0 : i32
      %dma_wait3A_470 = arith.constant 0 : i32
      %dma_wait3A_471 = tpu.memref_slice %arg3[%dma_wait3A_469, %dma_wait3A_470] : memref<500000x128xf32, #tpu.memory_space<hbm>> -> memref<500000x128xf32, #tpu.memory_space<hbm>>
      tpu.wait_indirect_dma semaphore(%arg17 : memref<!tpu.dma_semaphore, #tpu.memory_space<semaphore_mem>>) src(%dma_wait3A_471 : memref<500000x128xf32, #tpu.memory_space<hbm>>) dst(%arg9 : memref<64x128xf32, #tpu.memory_space<vmem>>)
      %mul3A_472 = arith.constant 64 : i32
      %mul3A_473 = arith.muli %add3A_465, %mul3A_472 : i32
      %add3A_474 = arith.addi %mul3A_2, %mul3A_473 : i32
      %dma_start3A_475 = arith.constant 0 : i32
      %dma_start3A_476 = tpu.memref_slice %arg4[%add3A_474, %dma_start3A_475] : memref<819200x128xf32, #tpu.memory_space<hbm>> -> memref<64x128xf32, #tpu.memory_space<hbm>>
      %dma_start3A_477 = arith.constant 0 : i32
      %dma_start3A_478 = tpu.memref_slice %arg4[%add3A_474, %dma_start3A_477] : memref<819200x128xf32, #tpu.memory_space<hbm>> -> memref<64x128xf32, #tpu.memory_space<hbm>>
      tpu.enqueue_dma source(%arg9 : memref<64x128xf32, #tpu.memory_space<vmem>>) target(%dma_start3A_478 : memref<64x128xf32, #tpu.memory_space<hbm>>) target_semaphore(%arg25 : memref<!tpu.dma_semaphore, #tpu.memory_space<semaphore_mem>>)
      %dma_wait3A_479 = arith.constant 0 : i32
      %dma_wait3A_480 = tpu.memref_slice %arg4[%mul3A_2, %dma_wait3A_479] : memref<819200x128xf32, #tpu.memory_space<hbm>> -> memref<64x128xf32, #tpu.memory_space<hbm>>
      %dma_wait3A_481 = arith.constant 0 : i32
      %dma_wait3A_482 = tpu.memref_slice %arg4[%mul3A_2, %dma_wait3A_481] : memref<819200x128xf32, #tpu.memory_space<hbm>> -> memref<64x128xf32, #tpu.memory_space<hbm>>
      tpu.wait_dma2 semaphore(%arg29 : memref<!tpu.dma_semaphore, #tpu.memory_space<semaphore_mem>>) src(%arg13 : memref<64x128xf32, #tpu.memory_space<vmem>>) dst(%dma_wait3A_482 : memref<64x128xf32, #tpu.memory_space<hbm>>)
      %add3A_483 = arith.constant 4 : i32
      %add3A_484 = arith.addi %add3A_465, %add3A_483 : i32
      %dma_start3A_485 = arith.constant 0 : i32
      %dma_start3A_486 = tpu.memref_slice %arg5[%add3A_484, %dma_start3A_485] : memref<400x64xi32, #tpu.memory_space<vmem>> -> memref<1x64xi32, #tpu.memory_space<vmem>>
      %dma_start3A_487 = tpu.memref_squeeze %dma_start3A_486 : memref<1x64xi32, #tpu.memory_space<vmem>> -> memref<64xi32, #tpu.memory_space<vmem>>
      %dma_start3A_488 = arith.constant 0 : i32
      %dma_start3A_489 = arith.constant 0 : i32
      %dma_start3A_490 = tpu.memref_slice %arg3[%dma_start3A_488, %dma_start3A_489] : memref<500000x128xf32, #tpu.memory_space<hbm>> -> memref<500000x128xf32, #tpu.memory_space<hbm>>
      tpu.enqueue_indirect_dma source(%dma_start3A_490 : memref<500000x128xf32, #tpu.memory_space<hbm>>) target(%arg13 : memref<64x128xf32, #tpu.memory_space<vmem>>) offsets(%dma_start3A_487 : memref<64xi32, #tpu.memory_space<vmem>>) semaphore(%arg21 : memref<!tpu.dma_semaphore, #tpu.memory_space<semaphore_mem>>)
      %mul3A_491 = arith.constant 8 : i32
      %mul3A_492 = arith.muli %scan3A_374, %mul3A_491 : i32
      %add3A_493 = arith.constant 4 : i32
      %add3A_494 = arith.addi %mul3A_492, %add3A_493 : i32
      %dma_wait3A_495 = arith.constant 0 : i32
      %dma_wait3A_496 = tpu.memref_slice %arg5[%add3A_494, %dma_wait3A_495] : memref<400x64xi32, #tpu.memory_space<vmem>> -> memref<1x64xi32, #tpu.memory_space<vmem>>
      %dma_wait3A_497 = tpu.memref_squeeze %dma_wait3A_496 : memref<1x64xi32, #tpu.memory_space<vmem>> -> memref<64xi32, #tpu.memory_space<vmem>>
      %dma_wait3A_498 = arith.constant 0 : i32
      %dma_wait3A_499 = arith.constant 0 : i32
      %dma_wait3A_500 = tpu.memref_slice %arg3[%dma_wait3A_498, %dma_wait3A_499] : memref<500000x128xf32, #tpu.memory_space<hbm>> -> memref<500000x128xf32, #tpu.memory_space<hbm>>
      tpu.wait_indirect_dma semaphore(%arg18 : memref<!tpu.dma_semaphore, #tpu.memory_space<semaphore_mem>>) src(%dma_wait3A_500 : memref<500000x128xf32, #tpu.memory_space<hbm>>) dst(%arg10 : memref<64x128xf32, #tpu.memory_space<vmem>>)
      %mul3A_501 = arith.constant 64 : i32
      %mul3A_502 = arith.muli %add3A_494, %mul3A_501 : i32
      %add3A_503 = arith.addi %mul3A_2, %mul3A_502 : i32
      %dma_start3A_504 = arith.constant 0 : i32
      %dma_start3A_505 = tpu.memref_slice %arg4[%add3A_503, %dma_start3A_504] : memref<819200x128xf32, #tpu.memory_space<hbm>> -> memref<64x128xf32, #tpu.memory_space<hbm>>
      %dma_start3A_506 = arith.constant 0 : i32
      %dma_start3A_507 = tpu.memref_slice %arg4[%add3A_503, %dma_start3A_506] : memref<819200x128xf32, #tpu.memory_space<hbm>> -> memref<64x128xf32, #tpu.memory_space<hbm>>
      tpu.enqueue_dma source(%arg10 : memref<64x128xf32, #tpu.memory_space<vmem>>) target(%dma_start3A_507 : memref<64x128xf32, #tpu.memory_space<hbm>>) target_semaphore(%arg26 : memref<!tpu.dma_semaphore, #tpu.memory_space<semaphore_mem>>)
      %dma_wait3A_508 = arith.constant 0 : i32
      %dma_wait3A_509 = tpu.memref_slice %arg4[%mul3A_2, %dma_wait3A_508] : memref<819200x128xf32, #tpu.memory_space<hbm>> -> memref<64x128xf32, #tpu.memory_space<hbm>>
      %dma_wait3A_510 = arith.constant 0 : i32
      %dma_wait3A_511 = tpu.memref_slice %arg4[%mul3A_2, %dma_wait3A_510] : memref<819200x128xf32, #tpu.memory_space<hbm>> -> memref<64x128xf32, #tpu.memory_space<hbm>>
      tpu.wait_dma2 semaphore(%arg22 : memref<!tpu.dma_semaphore, #tpu.memory_space<semaphore_mem>>) src(%arg6 : memref<64x128xf32, #tpu.memory_space<vmem>>) dst(%dma_wait3A_511 : memref<64x128xf32, #tpu.memory_space<hbm>>)
      %add3A_512 = arith.constant 4 : i32
      %add3A_513 = arith.addi %add3A_494, %add3A_512 : i32
      %dma_start3A_514 = arith.constant 0 : i32
      %dma_start3A_515 = tpu.memref_slice %arg5[%add3A_513, %dma_start3A_514] : memref<400x64xi32, #tpu.memory_space<vmem>> -> memref<1x64xi32, #tpu.memory_space<vmem>>
      %dma_start3A_516 = tpu.memref_squeeze %dma_start3A_515 : memref<1x64xi32, #tpu.memory_space<vmem>> -> memref<64xi32, #tpu.memory_space<vmem>>
      %dma_start3A_517 = arith.constant 0 : i32
      %dma_start3A_518 = arith.constant 0 : i32
      %dma_start3A_519 = tpu.memref_slice %arg3[%dma_start3A_517, %dma_start3A_518] : memref<500000x128xf32, #tpu.memory_space<hbm>> -> memref<500000x128xf32, #tpu.memory_space<hbm>>
      tpu.enqueue_indirect_dma source(%dma_start3A_519 : memref<500000x128xf32, #tpu.memory_space<hbm>>) target(%arg6 : memref<64x128xf32, #tpu.memory_space<vmem>>) offsets(%dma_start3A_516 : memref<64xi32, #tpu.memory_space<vmem>>) semaphore(%arg14 : memref<!tpu.dma_semaphore, #tpu.memory_space<semaphore_mem>>)
      %mul3A_520 = arith.constant 8 : i32
      %mul3A_521 = arith.muli %scan3A_374, %mul3A_520 : i32
      %add3A_522 = arith.constant 5 : i32
      %add3A_523 = arith.addi %mul3A_521, %add3A_522 : i32
      %dma_wait3A_524 = arith.constant 0 : i32
      %dma_wait3A_525 = tpu.memref_slice %arg5[%add3A_523, %dma_wait3A_524] : memref<400x64xi32, #tpu.memory_space<vmem>> -> memref<1x64xi32, #tpu.memory_space<vmem>>
      %dma_wait3A_526 = tpu.memref_squeeze %dma_wait3A_525 : memref<1x64xi32, #tpu.memory_space<vmem>> -> memref<64xi32, #tpu.memory_space<vmem>>
      %dma_wait3A_527 = arith.constant 0 : i32
      %dma_wait3A_528 = arith.constant 0 : i32
      %dma_wait3A_529 = tpu.memref_slice %arg3[%dma_wait3A_527, %dma_wait3A_528] : memref<500000x128xf32, #tpu.memory_space<hbm>> -> memref<500000x128xf32, #tpu.memory_space<hbm>>
      tpu.wait_indirect_dma semaphore(%arg19 : memref<!tpu.dma_semaphore, #tpu.memory_space<semaphore_mem>>) src(%dma_wait3A_529 : memref<500000x128xf32, #tpu.memory_space<hbm>>) dst(%arg11 : memref<64x128xf32, #tpu.memory_space<vmem>>)
      %mul3A_530 = arith.constant 64 : i32
      %mul3A_531 = arith.muli %add3A_523, %mul3A_530 : i32
      %add3A_532 = arith.addi %mul3A_2, %mul3A_531 : i32
      %dma_start3A_533 = arith.constant 0 : i32
      %dma_start3A_534 = tpu.memref_slice %arg4[%add3A_532, %dma_start3A_533] : memref<819200x128xf32, #tpu.memory_space<hbm>> -> memref<64x128xf32, #tpu.memory_space<hbm>>
      %dma_start3A_535 = arith.constant 0 : i32
      %dma_start3A_536 = tpu.memref_slice %arg4[%add3A_532, %dma_start3A_535] : memref<819200x128xf32, #tpu.memory_space<hbm>> -> memref<64x128xf32, #tpu.memory_space<hbm>>
      tpu.enqueue_dma source(%arg11 : memref<64x128xf32, #tpu.memory_space<vmem>>) target(%dma_start3A_536 : memref<64x128xf32, #tpu.memory_space<hbm>>) target_semaphore(%arg27 : memref<!tpu.dma_semaphore, #tpu.memory_space<semaphore_mem>>)
      %dma_wait3A_537 = arith.constant 0 : i32
      %dma_wait3A_538 = tpu.memref_slice %arg4[%mul3A_2, %dma_wait3A_537] : memref<819200x128xf32, #tpu.memory_space<hbm>> -> memref<64x128xf32, #tpu.memory_space<hbm>>
      %dma_wait3A_539 = arith.constant 0 : i32
      %dma_wait3A_540 = tpu.memref_slice %arg4[%mul3A_2, %dma_wait3A_539] : memref<819200x128xf32, #tpu.memory_space<hbm>> -> memref<64x128xf32, #tpu.memory_space<hbm>>
      tpu.wait_dma2 semaphore(%arg23 : memref<!tpu.dma_semaphore, #tpu.memory_space<semaphore_mem>>) src(%arg7 : memref<64x128xf32, #tpu.memory_space<vmem>>) dst(%dma_wait3A_540 : memref<64x128xf32, #tpu.memory_space<hbm>>)
      %add3A_541 = arith.constant 4 : i32
      %add3A_542 = arith.addi %add3A_523, %add3A_541 : i32
      %dma_start3A_543 = arith.constant 0 : i32
      %dma_start3A_544 = tpu.memref_slice %arg5[%add3A_542, %dma_start3A_543] : memref<400x64xi32, #tpu.memory_space<vmem>> -> memref<1x64xi32, #tpu.memory_space<vmem>>
      %dma_start3A_545 = tpu.memref_squeeze %dma_start3A_544 : memref<1x64xi32, #tpu.memory_space<vmem>> -> memref<64xi32, #tpu.memory_space<vmem>>
      %dma_start3A_546 = arith.constant 0 : i32
      %dma_start3A_547 = arith.constant 0 : i32
      %dma_start3A_548 = tpu.memref_slice %arg3[%dma_start3A_546, %dma_start3A_547] : memref<500000x128xf32, #tpu.memory_space<hbm>> -> memref<500000x128xf32, #tpu.memory_space<hbm>>
      tpu.enqueue_indirect_dma source(%dma_start3A_548 : memref<500000x128xf32, #tpu.memory_space<hbm>>) target(%arg7 : memref<64x128xf32, #tpu.memory_space<vmem>>) offsets(%dma_start3A_545 : memref<64xi32, #tpu.memory_space<vmem>>) semaphore(%arg15 : memref<!tpu.dma_semaphore, #tpu.memory_space<semaphore_mem>>)
      %mul3A_549 = arith.constant 8 : i32
      %mul3A_550 = arith.muli %scan3A_374, %mul3A_549 : i32
      %add3A_551 = arith.constant 6 : i32
      %add3A_552 = arith.addi %mul3A_550, %add3A_551 : i32
      %dma_wait3A_553 = arith.constant 0 : i32
      %dma_wait3A_554 = tpu.memref_slice %arg5[%add3A_552, %dma_wait3A_553] : memref<400x64xi32, #tpu.memory_space<vmem>> -> memref<1x64xi32, #tpu.memory_space<vmem>>
      %dma_wait3A_555 = tpu.memref_squeeze %dma_wait3A_554 : memref<1x64xi32, #tpu.memory_space<vmem>> -> memref<64xi32, #tpu.memory_space<vmem>>
      %dma_wait3A_556 = arith.constant 0 : i32
      %dma_wait3A_557 = arith.constant 0 : i32
      %dma_wait3A_558 = tpu.memref_slice %arg3[%dma_wait3A_556, %dma_wait3A_557] : memref<500000x128xf32, #tpu.memory_space<hbm>> -> memref<500000x128xf32, #tpu.memory_space<hbm>>
      tpu.wait_indirect_dma semaphore(%arg20 : memref<!tpu.dma_semaphore, #tpu.memory_space<semaphore_mem>>) src(%dma_wait3A_558 : memref<500000x128xf32, #tpu.memory_space<hbm>>) dst(%arg12 : memref<64x128xf32, #tpu.memory_space<vmem>>)
      %mul3A_559 = arith.constant 64 : i32
      %mul3A_560 = arith.muli %add3A_552, %mul3A_559 : i32
      %add3A_561 = arith.addi %mul3A_2, %mul3A_560 : i32
      %dma_start3A_562 = arith.constant 0 : i32
      %dma_start3A_563 = tpu.memref_slice %arg4[%add3A_561, %dma_start3A_562] : memref<819200x128xf32, #tpu.memory_space<hbm>> -> memref<64x128xf32, #tpu.memory_space<hbm>>
      %dma_start3A_564 = arith.constant 0 : i32
      %dma_start3A_565 = tpu.memref_slice %arg4[%add3A_561, %dma_start3A_564] : memref<819200x128xf32, #tpu.memory_space<hbm>> -> memref<64x128xf32, #tpu.memory_space<hbm>>
      tpu.enqueue_dma source(%arg12 : memref<64x128xf32, #tpu.memory_space<vmem>>) target(%dma_start3A_565 : memref<64x128xf32, #tpu.memory_space<hbm>>) target_semaphore(%arg28 : memref<!tpu.dma_semaphore, #tpu.memory_space<semaphore_mem>>)
      %dma_wait3A_566 = arith.constant 0 : i32
      %dma_wait3A_567 = tpu.memref_slice %arg4[%mul3A_2, %dma_wait3A_566] : memref<819200x128xf32, #tpu.memory_space<hbm>> -> memref<64x128xf32, #tpu.memory_space<hbm>>
      %dma_wait3A_568 = arith.constant 0 : i32
      %dma_wait3A_569 = tpu.memref_slice %arg4[%mul3A_2, %dma_wait3A_568] : memref<819200x128xf32, #tpu.memory_space<hbm>> -> memref<64x128xf32, #tpu.memory_space<hbm>>
      tpu.wait_dma2 semaphore(%arg24 : memref<!tpu.dma_semaphore, #tpu.memory_space<semaphore_mem>>) src(%arg8 : memref<64x128xf32, #tpu.memory_space<vmem>>) dst(%dma_wait3A_569 : memref<64x128xf32, #tpu.memory_space<hbm>>)
      %add3A_570 = arith.constant 4 : i32
      %add3A_571 = arith.addi %add3A_552, %add3A_570 : i32
      %dma_start3A_572 = arith.constant 0 : i32
      %dma_start3A_573 = tpu.memref_slice %arg5[%add3A_571, %dma_start3A_572] : memref<400x64xi32, #tpu.memory_space<vmem>> -> memref<1x64xi32, #tpu.memory_space<vmem>>
      %dma_start3A_574 = tpu.memref_squeeze %dma_start3A_573 : memref<1x64xi32, #tpu.memory_space<vmem>> -> memref<64xi32, #tpu.memory_space<vmem>>
      %dma_start3A_575 = arith.constant 0 : i32
      %dma_start3A_576 = arith.constant 0 : i32
      %dma_start3A_577 = tpu.memref_slice %arg3[%dma_start3A_575, %dma_start3A_576] : memref<500000x128xf32, #tpu.memory_space<hbm>> -> memref<500000x128xf32, #tpu.memory_space<hbm>>
      tpu.enqueue_indirect_dma source(%dma_start3A_577 : memref<500000x128xf32, #tpu.memory_space<hbm>>) target(%arg8 : memref<64x128xf32, #tpu.memory_space<vmem>>) offsets(%dma_start3A_574 : memref<64xi32, #tpu.memory_space<vmem>>) semaphore(%arg16 : memref<!tpu.dma_semaphore, #tpu.memory_space<semaphore_mem>>)
      %mul3A_578 = arith.constant 8 : i32
      %mul3A_579 = arith.muli %scan3A_374, %mul3A_578 : i32
      %add3A_580 = arith.constant 7 : i32
      %add3A_581 = arith.addi %mul3A_579, %add3A_580 : i32
      %dma_wait3A_582 = arith.constant 0 : i32
      %dma_wait3A_583 = tpu.memref_slice %arg5[%add3A_581, %dma_wait3A_582] : memref<400x64xi32, #tpu.memory_space<vmem>> -> memref<1x64xi32, #tpu.memory_space<vmem>>
      %dma_wait3A_584 = tpu.memref_squeeze %dma_wait3A_583 : memref<1x64xi32, #tpu.memory_space<vmem>> -> memref<64xi32, #tpu.memory_space<vmem>>
      %dma_wait3A_585 = arith.constant 0 : i32
      %dma_wait3A_586 = arith.constant 0 : i32
      %dma_wait3A_587 = tpu.memref_slice %arg3[%dma_wait3A_585, %dma_wait3A_586] : memref<500000x128xf32, #tpu.memory_space<hbm>> -> memref<500000x128xf32, #tpu.memory_space<hbm>>
      tpu.wait_indirect_dma semaphore(%arg21 : memref<!tpu.dma_semaphore, #tpu.memory_space<semaphore_mem>>) src(%dma_wait3A_587 : memref<500000x128xf32, #tpu.memory_space<hbm>>) dst(%arg13 : memref<64x128xf32, #tpu.memory_space<vmem>>)
      %mul3A_588 = arith.constant 64 : i32
      %mul3A_589 = arith.muli %add3A_581, %mul3A_588 : i32
      %add3A_590 = arith.addi %mul3A_2, %mul3A_589 : i32
      %dma_start3A_591 = arith.constant 0 : i32
      %dma_start3A_592 = tpu.memref_slice %arg4[%add3A_590, %dma_start3A_591] : memref<819200x128xf32, #tpu.memory_space<hbm>> -> memref<64x128xf32, #tpu.memory_space<hbm>>
      %dma_start3A_593 = arith.constant 0 : i32
      %dma_start3A_594 = tpu.memref_slice %arg4[%add3A_590, %dma_start3A_593] : memref<819200x128xf32, #tpu.memory_space<hbm>> -> memref<64x128xf32, #tpu.memory_space<hbm>>
      tpu.enqueue_dma source(%arg13 : memref<64x128xf32, #tpu.memory_space<vmem>>) target(%dma_start3A_594 : memref<64x128xf32, #tpu.memory_space<hbm>>) target_semaphore(%arg29 : memref<!tpu.dma_semaphore, #tpu.memory_space<semaphore_mem>>)
      %dma_wait3A_595 = arith.constant 0 : i32
      %dma_wait3A_596 = tpu.memref_slice %arg4[%mul3A_2, %dma_wait3A_595] : memref<819200x128xf32, #tpu.memory_space<hbm>> -> memref<64x128xf32, #tpu.memory_space<hbm>>
      %dma_wait3A_597 = arith.constant 0 : i32
      %dma_wait3A_598 = tpu.memref_slice %arg4[%mul3A_2, %dma_wait3A_597] : memref<819200x128xf32, #tpu.memory_space<hbm>> -> memref<64x128xf32, #tpu.memory_space<hbm>>
      tpu.wait_dma2 semaphore(%arg25 : memref<!tpu.dma_semaphore, #tpu.memory_space<semaphore_mem>>) src(%arg9 : memref<64x128xf32, #tpu.memory_space<vmem>>) dst(%dma_wait3A_598 : memref<64x128xf32, #tpu.memory_space<hbm>>)
      %add3A_599 = arith.constant 4 : i32
      %add3A_600 = arith.addi %add3A_581, %add3A_599 : i32
      %dma_start3A_601 = arith.constant 0 : i32
      %dma_start3A_602 = tpu.memref_slice %arg5[%add3A_600, %dma_start3A_601] : memref<400x64xi32, #tpu.memory_space<vmem>> -> memref<1x64xi32, #tpu.memory_space<vmem>>
      %dma_start3A_603 = tpu.memref_squeeze %dma_start3A_602 : memref<1x64xi32, #tpu.memory_space<vmem>> -> memref<64xi32, #tpu.memory_space<vmem>>
      %dma_start3A_604 = arith.constant 0 : i32
      %dma_start3A_605 = arith.constant 0 : i32
      %dma_start3A_606 = tpu.memref_slice %arg3[%dma_start3A_604, %dma_start3A_605] : memref<500000x128xf32, #tpu.memory_space<hbm>> -> memref<500000x128xf32, #tpu.memory_space<hbm>>
      tpu.enqueue_indirect_dma source(%dma_start3A_606 : memref<500000x128xf32, #tpu.memory_space<hbm>>) target(%arg9 : memref<64x128xf32, #tpu.memory_space<vmem>>) offsets(%dma_start3A_603 : memref<64xi32, #tpu.memory_space<vmem>>) semaphore(%arg17 : memref<!tpu.dma_semaphore, #tpu.memory_space<semaphore_mem>>)
    }
    %scan3A_209 = arith.constant 48 : i32
    %dma_wait3A_210 = arith.constant 392 : i32
    %dma_wait3A_211 = arith.constant 0 : i32
    %dma_wait3A_212 = tpu.memref_slice %arg5[%dma_wait3A_210, %dma_wait3A_211] : memref<400x64xi32, #tpu.memory_space<vmem>> -> memref<1x64xi32, #tpu.memory_space<vmem>>
    %dma_wait3A_213 = tpu.memref_squeeze %dma_wait3A_212 : memref<1x64xi32, #tpu.memory_space<vmem>> -> memref<64xi32, #tpu.memory_space<vmem>>
    %dma_wait3A_214 = arith.constant 0 : i32
    %dma_wait3A_215 = arith.constant 0 : i32
    %dma_wait3A_216 = tpu.memref_slice %arg3[%dma_wait3A_214, %dma_wait3A_215] : memref<500000x128xf32, #tpu.memory_space<hbm>> -> memref<500000x128xf32, #tpu.memory_space<hbm>>
    tpu.wait_indirect_dma semaphore(%arg14 : memref<!tpu.dma_semaphore, #tpu.memory_space<semaphore_mem>>) src(%dma_wait3A_216 : memref<500000x128xf32, #tpu.memory_space<hbm>>) dst(%arg6 : memref<64x128xf32, #tpu.memory_space<vmem>>)
    %add3A_217 = arith.constant 25088 : i32
    %add3A_218 = arith.addi %mul3A_2, %add3A_217 : i32
    %dma_start3A_219 = arith.constant 0 : i32
    %dma_start3A_220 = tpu.memref_slice %arg4[%add3A_218, %dma_start3A_219] : memref<819200x128xf32, #tpu.memory_space<hbm>> -> memref<64x128xf32, #tpu.memory_space<hbm>>
    %dma_start3A_221 = arith.constant 0 : i32
    %dma_start3A_222 = tpu.memref_slice %arg4[%add3A_218, %dma_start3A_221] : memref<819200x128xf32, #tpu.memory_space<hbm>> -> memref<64x128xf32, #tpu.memory_space<hbm>>
    tpu.enqueue_dma source(%arg6 : memref<64x128xf32, #tpu.memory_space<vmem>>) target(%dma_start3A_222 : memref<64x128xf32, #tpu.memory_space<hbm>>) target_semaphore(%arg22 : memref<!tpu.dma_semaphore, #tpu.memory_space<semaphore_mem>>)
    %dma_wait3A_223 = arith.constant 0 : i32
    %dma_wait3A_224 = tpu.memref_slice %arg4[%mul3A_2, %dma_wait3A_223] : memref<819200x128xf32, #tpu.memory_space<hbm>> -> memref<64x128xf32, #tpu.memory_space<hbm>>
    %dma_wait3A_225 = arith.constant 0 : i32
    %dma_wait3A_226 = tpu.memref_slice %arg4[%mul3A_2, %dma_wait3A_225] : memref<819200x128xf32, #tpu.memory_space<hbm>> -> memref<64x128xf32, #tpu.memory_space<hbm>>
    tpu.wait_dma2 semaphore(%arg26 : memref<!tpu.dma_semaphore, #tpu.memory_space<semaphore_mem>>) src(%arg10 : memref<64x128xf32, #tpu.memory_space<vmem>>) dst(%dma_wait3A_226 : memref<64x128xf32, #tpu.memory_space<hbm>>)
    %dma_start3A_227 = arith.constant 396 : i32
    %dma_start3A_228 = arith.constant 0 : i32
    %dma_start3A_229 = tpu.memref_slice %arg5[%dma_start3A_227, %dma_start3A_228] : memref<400x64xi32, #tpu.memory_space<vmem>> -> memref<1x64xi32, #tpu.memory_space<vmem>>
    %dma_start3A_230 = tpu.memref_squeeze %dma_start3A_229 : memref<1x64xi32, #tpu.memory_space<vmem>> -> memref<64xi32, #tpu.memory_space<vmem>>
    %dma_start3A_231 = arith.constant 0 : i32
    %dma_start3A_232 = arith.constant 0 : i32
    %dma_start3A_233 = tpu.memref_slice %arg3[%dma_start3A_231, %dma_start3A_232] : memref<500000x128xf32, #tpu.memory_space<hbm>> -> memref<500000x128xf32, #tpu.memory_space<hbm>>
    tpu.enqueue_indirect_dma source(%dma_start3A_233 : memref<500000x128xf32, #tpu.memory_space<hbm>>) target(%arg10 : memref<64x128xf32, #tpu.memory_space<vmem>>) offsets(%dma_start3A_230 : memref<64xi32, #tpu.memory_space<vmem>>) semaphore(%arg18 : memref<!tpu.dma_semaphore, #tpu.memory_space<semaphore_mem>>)
    %dma_wait3A_234 = arith.constant 393 : i32
    %dma_wait3A_235 = arith.constant 0 : i32
    %dma_wait3A_236 = tpu.memref_slice %arg5[%dma_wait3A_234, %dma_wait3A_235] : memref<400x64xi32, #tpu.memory_space<vmem>> -> memref<1x64xi32, #tpu.memory_space<vmem>>
    %dma_wait3A_237 = tpu.memref_squeeze %dma_wait3A_236 : memref<1x64xi32, #tpu.memory_space<vmem>> -> memref<64xi32, #tpu.memory_space<vmem>>
    %dma_wait3A_238 = arith.constant 0 : i32
    %dma_wait3A_239 = arith.constant 0 : i32
    %dma_wait3A_240 = tpu.memref_slice %arg3[%dma_wait3A_238, %dma_wait3A_239] : memref<500000x128xf32, #tpu.memory_space<hbm>> -> memref<500000x128xf32, #tpu.memory_space<hbm>>
    tpu.wait_indirect_dma semaphore(%arg15 : memref<!tpu.dma_semaphore, #tpu.memory_space<semaphore_mem>>) src(%dma_wait3A_240 : memref<500000x128xf32, #tpu.memory_space<hbm>>) dst(%arg7 : memref<64x128xf32, #tpu.memory_space<vmem>>)
    %add3A_241 = arith.constant 25152 : i32
    %add3A_242 = arith.addi %mul3A_2, %add3A_241 : i32
    %dma_start3A_243 = arith.constant 0 : i32
    %dma_start3A_244 = tpu.memref_slice %arg4[%add3A_242, %dma_start3A_243] : memref<819200x128xf32, #tpu.memory_space<hbm>> -> memref<64x128xf32, #tpu.memory_space<hbm>>
    %dma_start3A_245 = arith.constant 0 : i32
    %dma_start3A_246 = tpu.memref_slice %arg4[%add3A_242, %dma_start3A_245] : memref<819200x128xf32, #tpu.memory_space<hbm>> -> memref<64x128xf32, #tpu.memory_space<hbm>>
    tpu.enqueue_dma source(%arg7 : memref<64x128xf32, #tpu.memory_space<vmem>>) target(%dma_start3A_246 : memref<64x128xf32, #tpu.memory_space<hbm>>) target_semaphore(%arg23 : memref<!tpu.dma_semaphore, #tpu.memory_space<semaphore_mem>>)
    %dma_wait3A_247 = arith.constant 0 : i32
    %dma_wait3A_248 = tpu.memref_slice %arg4[%mul3A_2, %dma_wait3A_247] : memref<819200x128xf32, #tpu.memory_space<hbm>> -> memref<64x128xf32, #tpu.memory_space<hbm>>
    %dma_wait3A_249 = arith.constant 0 : i32
    %dma_wait3A_250 = tpu.memref_slice %arg4[%mul3A_2, %dma_wait3A_249] : memref<819200x128xf32, #tpu.memory_space<hbm>> -> memref<64x128xf32, #tpu.memory_space<hbm>>
    tpu.wait_dma2 semaphore(%arg27 : memref<!tpu.dma_semaphore, #tpu.memory_space<semaphore_mem>>) src(%arg11 : memref<64x128xf32, #tpu.memory_space<vmem>>) dst(%dma_wait3A_250 : memref<64x128xf32, #tpu.memory_space<hbm>>)
    %dma_start3A_251 = arith.constant 397 : i32
    %dma_start3A_252 = arith.constant 0 : i32
    %dma_start3A_253 = tpu.memref_slice %arg5[%dma_start3A_251, %dma_start3A_252] : memref<400x64xi32, #tpu.memory_space<vmem>> -> memref<1x64xi32, #tpu.memory_space<vmem>>
    %dma_start3A_254 = tpu.memref_squeeze %dma_start3A_253 : memref<1x64xi32, #tpu.memory_space<vmem>> -> memref<64xi32, #tpu.memory_space<vmem>>
    %dma_start3A_255 = arith.constant 0 : i32
    %dma_start3A_256 = arith.constant 0 : i32
    %dma_start3A_257 = tpu.memref_slice %arg3[%dma_start3A_255, %dma_start3A_256] : memref<500000x128xf32, #tpu.memory_space<hbm>> -> memref<500000x128xf32, #tpu.memory_space<hbm>>
    tpu.enqueue_indirect_dma source(%dma_start3A_257 : memref<500000x128xf32, #tpu.memory_space<hbm>>) target(%arg11 : memref<64x128xf32, #tpu.memory_space<vmem>>) offsets(%dma_start3A_254 : memref<64xi32, #tpu.memory_space<vmem>>) semaphore(%arg19 : memref<!tpu.dma_semaphore, #tpu.memory_space<semaphore_mem>>)
    %dma_wait3A_258 = arith.constant 394 : i32
    %dma_wait3A_259 = arith.constant 0 : i32
    %dma_wait3A_260 = tpu.memref_slice %arg5[%dma_wait3A_258, %dma_wait3A_259] : memref<400x64xi32, #tpu.memory_space<vmem>> -> memref<1x64xi32, #tpu.memory_space<vmem>>
    %dma_wait3A_261 = tpu.memref_squeeze %dma_wait3A_260 : memref<1x64xi32, #tpu.memory_space<vmem>> -> memref<64xi32, #tpu.memory_space<vmem>>
    %dma_wait3A_262 = arith.constant 0 : i32
    %dma_wait3A_263 = arith.constant 0 : i32
    %dma_wait3A_264 = tpu.memref_slice %arg3[%dma_wait3A_262, %dma_wait3A_263] : memref<500000x128xf32, #tpu.memory_space<hbm>> -> memref<500000x128xf32, #tpu.memory_space<hbm>>
    tpu.wait_indirect_dma semaphore(%arg16 : memref<!tpu.dma_semaphore, #tpu.memory_space<semaphore_mem>>) src(%dma_wait3A_264 : memref<500000x128xf32, #tpu.memory_space<hbm>>) dst(%arg8 : memref<64x128xf32, #tpu.memory_space<vmem>>)
    %add3A_265 = arith.constant 25216 : i32
    %add3A_266 = arith.addi %mul3A_2, %add3A_265 : i32
    %dma_start3A_267 = arith.constant 0 : i32
    %dma_start3A_268 = tpu.memref_slice %arg4[%add3A_266, %dma_start3A_267] : memref<819200x128xf32, #tpu.memory_space<hbm>> -> memref<64x128xf32, #tpu.memory_space<hbm>>
    %dma_start3A_269 = arith.constant 0 : i32
    %dma_start3A_270 = tpu.memref_slice %arg4[%add3A_266, %dma_start3A_269] : memref<819200x128xf32, #tpu.memory_space<hbm>> -> memref<64x128xf32, #tpu.memory_space<hbm>>
    tpu.enqueue_dma source(%arg8 : memref<64x128xf32, #tpu.memory_space<vmem>>) target(%dma_start3A_270 : memref<64x128xf32, #tpu.memory_space<hbm>>) target_semaphore(%arg24 : memref<!tpu.dma_semaphore, #tpu.memory_space<semaphore_mem>>)
    %dma_wait3A_271 = arith.constant 0 : i32
    %dma_wait3A_272 = tpu.memref_slice %arg4[%mul3A_2, %dma_wait3A_271] : memref<819200x128xf32, #tpu.memory_space<hbm>> -> memref<64x128xf32, #tpu.memory_space<hbm>>
    %dma_wait3A_273 = arith.constant 0 : i32
    %dma_wait3A_274 = tpu.memref_slice %arg4[%mul3A_2, %dma_wait3A_273] : memref<819200x128xf32, #tpu.memory_space<hbm>> -> memref<64x128xf32, #tpu.memory_space<hbm>>
    tpu.wait_dma2 semaphore(%arg28 : memref<!tpu.dma_semaphore, #tpu.memory_space<semaphore_mem>>) src(%arg12 : memref<64x128xf32, #tpu.memory_space<vmem>>) dst(%dma_wait3A_274 : memref<64x128xf32, #tpu.memory_space<hbm>>)
    %dma_start3A_275 = arith.constant 398 : i32
    %dma_start3A_276 = arith.constant 0 : i32
    %dma_start3A_277 = tpu.memref_slice %arg5[%dma_start3A_275, %dma_start3A_276] : memref<400x64xi32, #tpu.memory_space<vmem>> -> memref<1x64xi32, #tpu.memory_space<vmem>>
    %dma_start3A_278 = tpu.memref_squeeze %dma_start3A_277 : memref<1x64xi32, #tpu.memory_space<vmem>> -> memref<64xi32, #tpu.memory_space<vmem>>
    %dma_start3A_279 = arith.constant 0 : i32
    %dma_start3A_280 = arith.constant 0 : i32
    %dma_start3A_281 = tpu.memref_slice %arg3[%dma_start3A_279, %dma_start3A_280] : memref<500000x128xf32, #tpu.memory_space<hbm>> -> memref<500000x128xf32, #tpu.memory_space<hbm>>
    tpu.enqueue_indirect_dma source(%dma_start3A_281 : memref<500000x128xf32, #tpu.memory_space<hbm>>) target(%arg12 : memref<64x128xf32, #tpu.memory_space<vmem>>) offsets(%dma_start3A_278 : memref<64xi32, #tpu.memory_space<vmem>>) semaphore(%arg20 : memref<!tpu.dma_semaphore, #tpu.memory_space<semaphore_mem>>)
    %dma_wait3A_282 = arith.constant 395 : i32
    %dma_wait3A_283 = arith.constant 0 : i32
    %dma_wait3A_284 = tpu.memref_slice %arg5[%dma_wait3A_282, %dma_wait3A_283] : memref<400x64xi32, #tpu.memory_space<vmem>> -> memref<1x64xi32, #tpu.memory_space<vmem>>
    %dma_wait3A_285 = tpu.memref_squeeze %dma_wait3A_284 : memref<1x64xi32, #tpu.memory_space<vmem>> -> memref<64xi32, #tpu.memory_space<vmem>>
    %dma_wait3A_286 = arith.constant 0 : i32
    %dma_wait3A_287 = arith.constant 0 : i32
    %dma_wait3A_288 = tpu.memref_slice %arg3[%dma_wait3A_286, %dma_wait3A_287] : memref<500000x128xf32, #tpu.memory_space<hbm>> -> memref<500000x128xf32, #tpu.memory_space<hbm>>
    tpu.wait_indirect_dma semaphore(%arg17 : memref<!tpu.dma_semaphore, #tpu.memory_space<semaphore_mem>>) src(%dma_wait3A_288 : memref<500000x128xf32, #tpu.memory_space<hbm>>) dst(%arg9 : memref<64x128xf32, #tpu.memory_space<vmem>>)
    %add3A_289 = arith.constant 25280 : i32
    %add3A_290 = arith.addi %mul3A_2, %add3A_289 : i32
    %dma_start3A_291 = arith.constant 0 : i32
    %dma_start3A_292 = tpu.memref_slice %arg4[%add3A_290, %dma_start3A_291] : memref<819200x128xf32, #tpu.memory_space<hbm>> -> memref<64x128xf32, #tpu.memory_space<hbm>>
    %dma_start3A_293 = arith.constant 0 : i32
    %dma_start3A_294 = tpu.memref_slice %arg4[%add3A_290, %dma_start3A_293] : memref<819200x128xf32, #tpu.memory_space<hbm>> -> memref<64x128xf32, #tpu.memory_space<hbm>>
    tpu.enqueue_dma source(%arg9 : memref<64x128xf32, #tpu.memory_space<vmem>>) target(%dma_start3A_294 : memref<64x128xf32, #tpu.memory_space<hbm>>) target_semaphore(%arg25 : memref<!tpu.dma_semaphore, #tpu.memory_space<semaphore_mem>>)
    %dma_wait3A_295 = arith.constant 0 : i32
    %dma_wait3A_296 = tpu.memref_slice %arg4[%mul3A_2, %dma_wait3A_295] : memref<819200x128xf32, #tpu.memory_space<hbm>> -> memref<64x128xf32, #tpu.memory_space<hbm>>
    %dma_wait3A_297 = arith.constant 0 : i32
    %dma_wait3A_298 = tpu.memref_slice %arg4[%mul3A_2, %dma_wait3A_297] : memref<819200x128xf32, #tpu.memory_space<hbm>> -> memref<64x128xf32, #tpu.memory_space<hbm>>
    tpu.wait_dma2 semaphore(%arg29 : memref<!tpu.dma_semaphore, #tpu.memory_space<semaphore_mem>>) src(%arg13 : memref<64x128xf32, #tpu.memory_space<vmem>>) dst(%dma_wait3A_298 : memref<64x128xf32, #tpu.memory_space<hbm>>)
    %dma_start3A_299 = arith.constant 399 : i32
    %dma_start3A_300 = arith.constant 0 : i32
    %dma_start3A_301 = tpu.memref_slice %arg5[%dma_start3A_299, %dma_start3A_300] : memref<400x64xi32, #tpu.memory_space<vmem>> -> memref<1x64xi32, #tpu.memory_space<vmem>>
    %dma_start3A_302 = tpu.memref_squeeze %dma_start3A_301 : memref<1x64xi32, #tpu.memory_space<vmem>> -> memref<64xi32, #tpu.memory_space<vmem>>
    %dma_start3A_303 = arith.constant 0 : i32
    %dma_start3A_304 = arith.constant 0 : i32
    %dma_start3A_305 = tpu.memref_slice %arg3[%dma_start3A_303, %dma_start3A_304] : memref<500000x128xf32, #tpu.memory_space<hbm>> -> memref<500000x128xf32, #tpu.memory_space<hbm>>
    tpu.enqueue_indirect_dma source(%dma_start3A_305 : memref<500000x128xf32, #tpu.memory_space<hbm>>) target(%arg13 : memref<64x128xf32, #tpu.memory_space<vmem>>) offsets(%dma_start3A_302 : memref<64xi32, #tpu.memory_space<vmem>>) semaphore(%arg21 : memref<!tpu.dma_semaphore, #tpu.memory_space<semaphore_mem>>)
    %dma_wait3A_306 = arith.constant 396 : i32
    %dma_wait3A_307 = arith.constant 0 : i32
    %dma_wait3A_308 = tpu.memref_slice %arg5[%dma_wait3A_306, %dma_wait3A_307] : memref<400x64xi32, #tpu.memory_space<vmem>> -> memref<1x64xi32, #tpu.memory_space<vmem>>
    %dma_wait3A_309 = tpu.memref_squeeze %dma_wait3A_308 : memref<1x64xi32, #tpu.memory_space<vmem>> -> memref<64xi32, #tpu.memory_space<vmem>>
    %dma_wait3A_310 = arith.constant 0 : i32
    %dma_wait3A_311 = arith.constant 0 : i32
    %dma_wait3A_312 = tpu.memref_slice %arg3[%dma_wait3A_310, %dma_wait3A_311] : memref<500000x128xf32, #tpu.memory_space<hbm>> -> memref<500000x128xf32, #tpu.memory_space<hbm>>
    tpu.wait_indirect_dma semaphore(%arg18 : memref<!tpu.dma_semaphore, #tpu.memory_space<semaphore_mem>>) src(%dma_wait3A_312 : memref<500000x128xf32, #tpu.memory_space<hbm>>) dst(%arg10 : memref<64x128xf32, #tpu.memory_space<vmem>>)
    %add3A_313 = arith.constant 25344 : i32
    %add3A_314 = arith.addi %mul3A_2, %add3A_313 : i32
    %dma_start3A_315 = arith.constant 0 : i32
    %dma_start3A_316 = tpu.memref_slice %arg4[%add3A_314, %dma_start3A_315] : memref<819200x128xf32, #tpu.memory_space<hbm>> -> memref<64x128xf32, #tpu.memory_space<hbm>>
    %dma_start3A_317 = arith.constant 0 : i32
    %dma_start3A_318 = tpu.memref_slice %arg4[%add3A_314, %dma_start3A_317] : memref<819200x128xf32, #tpu.memory_space<hbm>> -> memref<64x128xf32, #tpu.memory_space<hbm>>
    tpu.enqueue_dma source(%arg10 : memref<64x128xf32, #tpu.memory_space<vmem>>) target(%dma_start3A_318 : memref<64x128xf32, #tpu.memory_space<hbm>>) target_semaphore(%arg26 : memref<!tpu.dma_semaphore, #tpu.memory_space<semaphore_mem>>)
    %dma_wait3A_319 = arith.constant 397 : i32
    %dma_wait3A_320 = arith.constant 0 : i32
    %dma_wait3A_321 = tpu.memref_slice %arg5[%dma_wait3A_319, %dma_wait3A_320] : memref<400x64xi32, #tpu.memory_space<vmem>> -> memref<1x64xi32, #tpu.memory_space<vmem>>
    %dma_wait3A_322 = tpu.memref_squeeze %dma_wait3A_321 : memref<1x64xi32, #tpu.memory_space<vmem>> -> memref<64xi32, #tpu.memory_space<vmem>>
    %dma_wait3A_323 = arith.constant 0 : i32
    %dma_wait3A_324 = arith.constant 0 : i32
    %dma_wait3A_325 = tpu.memref_slice %arg3[%dma_wait3A_323, %dma_wait3A_324] : memref<500000x128xf32, #tpu.memory_space<hbm>> -> memref<500000x128xf32, #tpu.memory_space<hbm>>
    tpu.wait_indirect_dma semaphore(%arg19 : memref<!tpu.dma_semaphore, #tpu.memory_space<semaphore_mem>>) src(%dma_wait3A_325 : memref<500000x128xf32, #tpu.memory_space<hbm>>) dst(%arg11 : memref<64x128xf32, #tpu.memory_space<vmem>>)
    %add3A_326 = arith.constant 25408 : i32
    %add3A_327 = arith.addi %mul3A_2, %add3A_326 : i32
    %dma_start3A_328 = arith.constant 0 : i32
    %dma_start3A_329 = tpu.memref_slice %arg4[%add3A_327, %dma_start3A_328] : memref<819200x128xf32, #tpu.memory_space<hbm>> -> memref<64x128xf32, #tpu.memory_space<hbm>>
    %dma_start3A_330 = arith.constant 0 : i32
    %dma_start3A_331 = tpu.memref_slice %arg4[%add3A_327, %dma_start3A_330] : memref<819200x128xf32, #tpu.memory_space<hbm>> -> memref<64x128xf32, #tpu.memory_space<hbm>>
    tpu.enqueue_dma source(%arg11 : memref<64x128xf32, #tpu.memory_space<vmem>>) target(%dma_start3A_331 : memref<64x128xf32, #tpu.memory_space<hbm>>) target_semaphore(%arg27 : memref<!tpu.dma_semaphore, #tpu.memory_space<semaphore_mem>>)
    %dma_wait3A_332 = arith.constant 398 : i32
    %dma_wait3A_333 = arith.constant 0 : i32
    %dma_wait3A_334 = tpu.memref_slice %arg5[%dma_wait3A_332, %dma_wait3A_333] : memref<400x64xi32, #tpu.memory_space<vmem>> -> memref<1x64xi32, #tpu.memory_space<vmem>>
    %dma_wait3A_335 = tpu.memref_squeeze %dma_wait3A_334 : memref<1x64xi32, #tpu.memory_space<vmem>> -> memref<64xi32, #tpu.memory_space<vmem>>
    %dma_wait3A_336 = arith.constant 0 : i32
    %dma_wait3A_337 = arith.constant 0 : i32
    %dma_wait3A_338 = tpu.memref_slice %arg3[%dma_wait3A_336, %dma_wait3A_337] : memref<500000x128xf32, #tpu.memory_space<hbm>> -> memref<500000x128xf32, #tpu.memory_space<hbm>>
    tpu.wait_indirect_dma semaphore(%arg20 : memref<!tpu.dma_semaphore, #tpu.memory_space<semaphore_mem>>) src(%dma_wait3A_338 : memref<500000x128xf32, #tpu.memory_space<hbm>>) dst(%arg12 : memref<64x128xf32, #tpu.memory_space<vmem>>)
    %add3A_339 = arith.constant 25472 : i32
    %add3A_340 = arith.addi %mul3A_2, %add3A_339 : i32
    %dma_start3A_341 = arith.constant 0 : i32
    %dma_start3A_342 = tpu.memref_slice %arg4[%add3A_340, %dma_start3A_341] : memref<819200x128xf32, #tpu.memory_space<hbm>> -> memref<64x128xf32, #tpu.memory_space<hbm>>
    %dma_start3A_343 = arith.constant 0 : i32
    %dma_start3A_344 = tpu.memref_slice %arg4[%add3A_340, %dma_start3A_343] : memref<819200x128xf32, #tpu.memory_space<hbm>> -> memref<64x128xf32, #tpu.memory_space<hbm>>
    tpu.enqueue_dma source(%arg12 : memref<64x128xf32, #tpu.memory_space<vmem>>) target(%dma_start3A_344 : memref<64x128xf32, #tpu.memory_space<hbm>>) target_semaphore(%arg28 : memref<!tpu.dma_semaphore, #tpu.memory_space<semaphore_mem>>)
    %dma_wait3A_345 = arith.constant 399 : i32
    %dma_wait3A_346 = arith.constant 0 : i32
    %dma_wait3A_347 = tpu.memref_slice %arg5[%dma_wait3A_345, %dma_wait3A_346] : memref<400x64xi32, #tpu.memory_space<vmem>> -> memref<1x64xi32, #tpu.memory_space<vmem>>
    %dma_wait3A_348 = tpu.memref_squeeze %dma_wait3A_347 : memref<1x64xi32, #tpu.memory_space<vmem>> -> memref<64xi32, #tpu.memory_space<vmem>>
    %dma_wait3A_349 = arith.constant 0 : i32
    %dma_wait3A_350 = arith.constant 0 : i32
    %dma_wait3A_351 = tpu.memref_slice %arg3[%dma_wait3A_349, %dma_wait3A_350] : memref<500000x128xf32, #tpu.memory_space<hbm>> -> memref<500000x128xf32, #tpu.memory_space<hbm>>
    tpu.wait_indirect_dma semaphore(%arg21 : memref<!tpu.dma_semaphore, #tpu.memory_space<semaphore_mem>>) src(%dma_wait3A_351 : memref<500000x128xf32, #tpu.memory_space<hbm>>) dst(%arg13 : memref<64x128xf32, #tpu.memory_space<vmem>>)
    %add3A_352 = arith.constant 25536 : i32
    %add3A_353 = arith.addi %mul3A_2, %add3A_352 : i32
    %dma_start3A_354 = arith.constant 0 : i32
    %dma_start3A_355 = tpu.memref_slice %arg4[%add3A_353, %dma_start3A_354] : memref<819200x128xf32, #tpu.memory_space<hbm>> -> memref<64x128xf32, #tpu.memory_space<hbm>>
    %dma_start3A_356 = arith.constant 0 : i32
    %dma_start3A_357 = tpu.memref_slice %arg4[%add3A_353, %dma_start3A_356] : memref<819200x128xf32, #tpu.memory_space<hbm>> -> memref<64x128xf32, #tpu.memory_space<hbm>>
    tpu.enqueue_dma source(%arg13 : memref<64x128xf32, #tpu.memory_space<vmem>>) target(%dma_start3A_357 : memref<64x128xf32, #tpu.memory_space<hbm>>) target_semaphore(%arg29 : memref<!tpu.dma_semaphore, #tpu.memory_space<semaphore_mem>>)
    %dma_wait3A_358 = arith.constant 0 : i32
    %dma_wait3A_359 = tpu.memref_slice %arg4[%mul3A_2, %dma_wait3A_358] : memref<819200x128xf32, #tpu.memory_space<hbm>> -> memref<64x128xf32, #tpu.memory_space<hbm>>
    %dma_wait3A_360 = arith.constant 0 : i32
    %dma_wait3A_361 = tpu.memref_slice %arg4[%mul3A_2, %dma_wait3A_360] : memref<819200x128xf32, #tpu.memory_space<hbm>> -> memref<64x128xf32, #tpu.memory_space<hbm>>
    tpu.wait_dma2 semaphore(%arg26 : memref<!tpu.dma_semaphore, #tpu.memory_space<semaphore_mem>>) src(%arg10 : memref<64x128xf32, #tpu.memory_space<vmem>>) dst(%dma_wait3A_361 : memref<64x128xf32, #tpu.memory_space<hbm>>)
    %dma_wait3A_362 = arith.constant 0 : i32
    %dma_wait3A_363 = tpu.memref_slice %arg4[%mul3A_2, %dma_wait3A_362] : memref<819200x128xf32, #tpu.memory_space<hbm>> -> memref<64x128xf32, #tpu.memory_space<hbm>>
    %dma_wait3A_364 = arith.constant 0 : i32
    %dma_wait3A_365 = tpu.memref_slice %arg4[%mul3A_2, %dma_wait3A_364] : memref<819200x128xf32, #tpu.memory_space<hbm>> -> memref<64x128xf32, #tpu.memory_space<hbm>>
    tpu.wait_dma2 semaphore(%arg27 : memref<!tpu.dma_semaphore, #tpu.memory_space<semaphore_mem>>) src(%arg11 : memref<64x128xf32, #tpu.memory_space<vmem>>) dst(%dma_wait3A_365 : memref<64x128xf32, #tpu.memory_space<hbm>>)
    %dma_wait3A_366 = arith.constant 0 : i32
    %dma_wait3A_367 = tpu.memref_slice %arg4[%mul3A_2, %dma_wait3A_366] : memref<819200x128xf32, #tpu.memory_space<hbm>> -> memref<64x128xf32, #tpu.memory_space<hbm>>
    %dma_wait3A_368 = arith.constant 0 : i32
    %dma_wait3A_369 = tpu.memref_slice %arg4[%mul3A_2, %dma_wait3A_368] : memref<819200x128xf32, #tpu.memory_space<hbm>> -> memref<64x128xf32, #tpu.memory_space<hbm>>
    tpu.wait_dma2 semaphore(%arg28 : memref<!tpu.dma_semaphore, #tpu.memory_space<semaphore_mem>>) src(%arg12 : memref<64x128xf32, #tpu.memory_space<vmem>>) dst(%dma_wait3A_369 : memref<64x128xf32, #tpu.memory_space<hbm>>)
    %dma_wait3A_370 = arith.constant 0 : i32
    %dma_wait3A_371 = tpu.memref_slice %arg4[%mul3A_2, %dma_wait3A_370] : memref<819200x128xf32, #tpu.memory_space<hbm>> -> memref<64x128xf32, #tpu.memory_space<hbm>>
    %dma_wait3A_372 = arith.constant 0 : i32
    %dma_wait3A_373 = tpu.memref_slice %arg4[%mul3A_2, %dma_wait3A_372] : memref<819200x128xf32, #tpu.memory_space<hbm>> -> memref<64x128xf32, #tpu.memory_space<hbm>>
    tpu.wait_dma2 semaphore(%arg29 : memref<!tpu.dma_semaphore, #tpu.memory_space<semaphore_mem>>) src(%arg13 : memref<64x128xf32, #tpu.memory_space<vmem>>) dst(%dma_wait3A_373 : memref<64x128xf32, #tpu.memory_space<hbm>>)
    return
  }
}

</mosaic_0001>

<sc_bundles>
// kernel: kernel.3.cloned.1.call-start
scs
__scs_entry_jumppad:
0x0: {  	(pc) =	sbr.rel $0x88, $3  }
0x1: {  	(tag) =	ssettag $0x0;
	lr =	simm.s32 $0x1  }
0x2: {  	[smem:$0x3F9F] =	sst lr;
	_ =	strace $0xD0000000  }
0x3: {  	_ = 	snop  }
0x4: {  	_ = 	snop  }
0x5: {  	_ = 	snop  }
0x6: {  	_ = 	snop  }
0x7: {  	_ = 	snop  }
__scs_overlays_trampoline_lowered:
0x8: {  	[smem:$0x3FAE] =	sst s0  }
0x9: {  	[smem:$0x3FAF] =	sst s1  }
0xa: {  	[smem:$0x3FB0] =	sst s2  }
0xb: {  	[smem:$0x3FB1] =	sst s3  }
0xc: {  	[smem:$0x3FB2] =	sst s4  }
0xd: {  	[smem:$0x3FB3] =	sst s5  }
0xe: {  	[smem:$0x3FB4] =	sst s6  }
0xf: {  	[smem:$0x3FB5] =	sst s7  }
0x10: {  	[smem:$0x3FB6] =	sst s8  }
0x11: {  	[smem:$0x3FB7] =	sst s9;
	s0 =	simm.s32 @!p0 $0x0  }
0x12: {  	s1 =	sld [smem:$0x3F9D];
	s0 =	simm.s32 @p0 $0x1  }
0x13: {  	[smem:$0x3FB8] =	sst s0;
	s0 =	simm.s32 @!p1 $0x0  }
0x14: {  	s2 =	sld [smem:$0x3F9C];
	s0 =	simm.s32 @p1 $0x1  }
0x15: {  	[smem:$0x3FB9] =	sst s0;
	s0 =	simm.s32 @!p2 $0x0  }
0x16: {  	s3 =	sld [smem:$0x3FDB];
	s0 =	simm.s32 @p2 $0x1  }
0x17: {  	s4 =	simm.s32 $0x1BF5;
	[smem:$0x3FBB] =	sst s0  }
0x18: {  	s0 =	sld [smem:$0x3F9E];
	_ =	swait.ge [sflag:s4], $0x0  }
0x19: {  	s7 =	sld [smem:$0x3F9F]  }
0x1a: {  	s8 =	sadd.s32 $0xFFFFE003, lr  }
0x1b: {  	s9 =	sadd.s32 $0xFFFFFEF7, lr;
	s5 =	simm.s32 $0xFFFFFFFF;
	p2 =	slt.u32 s8, $0xFFFFF086  }
0x1c: {  	p1 =	slt.u32 s9, $0xF7A;
	s5 =	simm.s32 @!p2 $0x0  }
0x1d: {  	s5 =	simm.s32 @p1 $0x1;
	p0 =	seq.s32 s7, s2  }
0x1e: {  	s7 =	smul.u32 @!p0 $0xF7A, s2;
	p2 =	seq.s32 @!p0 s5, $0x0  }
0x1f: {  	s9 =	smul.u32 $0xF7A, s1;
	s8 =	simm.s32 @!p0 $0x1BF5;
	p2 =	por !p2, p0  }
0x20: {  	[sflag:s8] =	ssyncset.s32 @!p0 $0xFFFFF086;
	s6 =	sadd.s32 @!p0 s3, s7;
	s7 =	simm.s32 @!p0 $0x108  }
0x21: {  	s3 =	sadd.s32 s3, s9;
	s6 =	sadd.s32 @!p0 $0x88, s6;
	s7 =	simm.s32 @p2 $0x1082  }
0x22: {  	[simem:s7], [sflag:s8] =	dma.local @!p0 [hbm:s6], $0xF7A  }
0x23: {  	s9 =	sor.u32 $0xD0000000, s2;
	s6 =	simm.s32 $0x108;
	_ =	swait.ge @!p0 [sflag:s8], $0x0  }
0x24: {  	s3 =	sadd.s32 $0x88, s3;
	s6 =	simm.s32 @!p1 $0x1082;
	[sflag:s4] =	ssyncset.s32 $0xFFFFF086  }
0x25: {  	[simem:s6], [sflag:s4] =	dma.local [hbm:s3], $0xF7A  }
0x26: {  	[smem:$0x3F9F] =	sst s1;
	(tag) =	ssettag s2;
	_ =	strace s9  }
0x27: {  	s1 =	sld [smem:$0x3FAF]  }
0x28: {  	s2 =	sld [smem:$0x3FB0]  }
0x29: {  	s4 =	sld [smem:$0x3FB2]  }
0x2a: {  	p0 =	seq.s32 s5, $0x0;
	s5 =	sld [smem:$0x3FB3]  }
0x2b: {  	s6 =	sld [smem:$0x3FB4]  }
0x2c: {  	s7 =	sld [smem:$0x3FB5]  }
0x2d: {  	s3 =	simm.s32 $0x108;
	s8 =	sld [smem:$0x3FB6]  }
0x2e: {  	s3 =	simm.s32 @!p0 $0x1082;
	s9 =	sld [smem:$0x3FB7]  }
0x2f: {  	lr =	sadd.s32 s0, s3;
	s0 =	sld [smem:$0x3FAE]  }
0x30: {  	s3 =	sld [smem:$0x3FB1]  }
0x31: {  	[smem:$0x3FBA] =	sst s10  }
0x32: {  	s10 =	sld [smem:$0x3FB8];
	_ =	sdelay $0x3  }
0x33: {  	p0 =	seq.s32 s10, $0x1;
	s10 =	sld [smem:$0x3FBA];
	_ =	sdelay $0x3  }
0x34: {  	[smem:$0x3FBA] =	sst s10  }
0x35: {  	s10 =	sld [smem:$0x3FB9];
	_ =	sdelay $0x3  }
0x36: {  	p1 =	seq.s32 s10, $0x1;
	s10 =	sld [smem:$0x3FBA];
	_ =	sdelay $0x3  }
0x37: {  	[smem:$0x3FBA] =	sst s10  }
0x38: {  	s10 =	sld [smem:$0x3FBB]  }
0x39: {  	_ = 	snop;
	(pc) =	sbr.ind lr, $3  }
0x3a: {  	_ = 	snop  }
0x3b: {  	_ = 	snop  }
0x3c: {  	p2 =	seq.s32 s10, $0x1;
	s10 =	sld [smem:$0x3FBA]  }
0x3d: {  	_ =	shalt  }
0x3e: {  	_ =	shalt  }
0x3f: {  	_ =	shalt  }
0x40: {  	_ =	shalt  }
0x41: {  	_ =	shalt  }
0x42: {  	_ =	shalt  }
0x43: {  	_ =	shalt  }
0x44: {  	_ =	shalt  }
0x45: {  	_ =	shalt  }
0x46: {  	_ =	shalt  }
0x47: {  	_ =	shalt  }
0x48: {  	_ =	shalt  }
0x49: {  	_ =	shalt  }
0x4a: {  	_ =	shalt  }
0x4b: {  	_ =	shalt  }
0x4c: {  	_ =	shalt  }
0x4d: {  	_ =	shalt  }
0x4e: {  	_ =	shalt  }
0x4f: {  	_ =	shalt  }
0x50: {  	_ =	shalt  }
0x51: {  	_ =	shalt  }
0x52: {  	_ =	shalt  }
0x53: {  	_ =	shalt  }
0x54: {  	_ =	shalt  }
0x55: {  	_ =	shalt  }
0x56: {  	_ =	shalt  }
0x57: {  	_ =	shalt  }
0x58: {  	_ =	shalt  }
0x59: {  	_ =	shalt  }
0x5a: {  	_ =	shalt  }
0x5b: {  	_ =	shalt  }
0x5c: {  	_ =	shalt  }
0x5d: {  	_ =	shalt  }
0x5e: {  	_ =	shalt  }
0x5f: {  	_ =	shalt  }
0x60: {  	_ =	shalt  }
0x61: {  	_ =	shalt  }
0x62: {  	_ =	shalt  }
0x63: {  	_ =	shalt  }
0x64: {  	_ =	shalt  }
0x65: {  	_ =	shalt  }
0x66: {  	_ =	shalt  }
0x67: {  	_ =	shalt  }
0x68: {  	_ =	shalt  }
0x69: {  	_ =	shalt  }
0x6a: {  	_ =	shalt  }
0x6b: {  	_ =	shalt  }
0x6c: {  	_ =	shalt  }
0x6d: {  	_ =	shalt  }
0x6e: {  	_ =	shalt  }
0x6f: {  	_ =	shalt  }
0x70: {  	_ =	shalt  }
0x71: {  	_ =	shalt  }
0x72: {  	_ =	shalt  }
0x73: {  	_ =	shalt  }
0x74: {  	_ =	shalt  }
0x75: {  	_ =	shalt  }
0x76: {  	_ =	shalt  }
0x77: {  	_ =	shalt  }
0x78: {  	_ =	shalt  }
0x79: {  	_ =	shalt  }
0x7a: {  	_ =	shalt  }
0x7b: {  	_ =	shalt  }
0x7c: {  	_ =	shalt  }
0x7d: {  	_ =	shalt  }
0x7e: {  	_ =	shalt  }
0x7f: {  	_ =	shalt  }
0x80: {  	_ =	shalt  }
0x81: {  	_ =	shalt  }
0x82: {  	_ =	shalt  }
0x83: {  	_ =	shalt  }
0x84: {  	_ =	shalt  }
0x85: {  	_ =	shalt  }
0x86: {  	_ =	shalt  }
0x87: {  	_ =	shalt  }
.Lfunc_end0:
.L_simem_size_0:
called_computation.2_lowered:
.L_overlay_start_0:
0x88: {  	s2 =	sld [smem:$0x3FD9]  }
0x89: {  	s3 =	sld [smem:$0x3FFE];
	_ =	sdelay $0x1  }
0x8a: {  	s1 =	srdreg.scid  }
0x8b: {  	s0 =	sand.u32 $0x1, s1  }
0x8c: {  	s17 =	sshll.u32 s0, $0xA;
	s2 =	sadd.s32 s3, s2  }
0x8d: {  	s2 =	sadd.s32 s2, s17  }
0x8e: {  	[smem:$0x3FC6] =	sst s2  }
0x8f: {  	_ = 	snop  }
0x90: {  	s2 =	sld [smem:$0x3FD0];
	(tm) =	ssettm $0x1  }
0x91: {  	s18 =	sld [smem:$0x3FFB];
	_ =	sdelay $0x3  }
0x92: {  	_ =	strace s18  }
0x93: {  	s3 =	sld [smem:$0x3FFC];
	_ =	sdelay $0x3  }
0x94: {  	_ =	strace s3  }
0x95: {  	s3 =	sld [smem:$0x3FFD];
	_ =	sdelay $0x3  }
0x96: {  	_ =	strace s3  }
0x97: {  	_ =	strace $0x8FFFFFFF  }
0x98: {  	s19 =	sld [smem:$0x3FDB];
	_ =	sdelay $0x1  }
0x99: {  	s4 =	simm.s32 $_scs_section_size  }
0x9a: {  	s5 =	simm.s32 $_size__tile_overlayer_lowered;
	s6 =	simm.s32 $_tile_overlayer_lowered  }
0x9b: {  	s22 =	simm.s32 $0x1BFF;
	s21 =	sshll.u32 s6, $0x1;
	s3 =	sadd.s32 s4, s19  }
0x9c: {  	s7 =	simm.s32 $0x0;
	s20 =	sshll.u32 s5, $0x1;
	s5 =	sadd.s32 s21, s3  }
0x9d: {  	[timem:s7], [sflag:s22] =	dma.local [hbm:s5], s20  }
0x9e: {  	_ =	swait.ge [sflag:s22], s20  }
0x9f: {  	s4 =	ssub.s32 $0x0, s20;
	[sflag:s22] =	ssyncset.done $0x0  }
0xa0: {  	[sflag:s22] =	ssyncadd.s32 s4;
	_ =	sdelay $0x1  }
0xa1: {  	s23 =	simm.s32 $0x1B8B  }
0xa2: {  	_ =	swait.ge [sflag:s23], $0x1  }
0xa3: {  	[sflag:s23] =	ssyncset.done $0x0  }
0xa4: {  	s25 =	simm.s32 $0x1B8E;
	s24 =	sld [smem:$0x3FFE];
	[sflag:s23] =	ssyncadd.s32 $0xFFFFFFFF  }
0xa5: {  	s26 =	simm.s32 $execute0_lowered;
	[smem:$0x3FD2] =	sst s25  }
0xa6: {  	s5 =	sshll.u32 s26, $0x1;
	_ =	strace $0x80000049;
	[dreg:$0x1] =	wrdreg $0xFFFFFFFF  }
0xa7: {  	s28 =	simm.s32 $_size_execute0_lowered;
	s3 =	sadd.s32 s3, s5;
	[dreg:$0x0] =	wrdreg $0x0  }
0xa8: {  	s5 =	sshll.u32 s28, $0x1;
	[dreg:$0x2] =	wrdreg s3  }
0xa9: {  	[dreg:$0x3] =	wrdreg s5  }
0xaa: {  	[dreg:$0x4] =	wrdreg $0xC0  }
0xab: {  	_ =	task [dreg:s7], $0x5FFFF  }
0xac: {  	[dreg:$0x1] =	wrdreg $0xFFFFFFFF  }
0xad: {  	[dreg:$0x0] =	wrdreg $0x60  }
0xae: {  	[dreg:$0x2] =	wrdreg s2  }
0xaf: {  	[dreg:$0x3] =	wrdreg s24  }
0xb0: {  	[dreg:$0x4] =	wrdreg $0x9  }
0xb1: {  	_ =	task.clear_ibuf [dreg:s7], $0x5FFFF;
	_ =	strace $0x90000049  }
0xb2: {  	s29 =	simm.s32 $0x9;
	_ =	strace $0x8000004B  }
0xb3: {  	_ =	swait.ge [sflag:s29], $0x1  }
0xb4: {  	[sflag:s29] =	ssyncadd.s32 $0xFFFFFFFF  }
0xb5: {  	_ =	strace $0x9000004B  }
0xb6: {  	_ =	sfence  }
0xb7: {  	s30 =	sld [smem:$0x0];
	_ =	sdelay $0x2  }
0xb8: {  	s31 =	sshll.u32 s1, $0xD;
	s1 =	sshrl.u32 s1, $0x2  }
0xb9: {  	s3 =	sand.u32 $0x4000, s31;
	s1 =	sadd.s32 s1, s30  }
0xba: {  	s0 =	sor.u32 s3, s0;
	s1 =	sshll.u32 s1, $0x11  }
0xbb: {  	s0 =	sor.u32 s1, s0  }
0xbc: {  	s0 =	sadd.s32 $0x8F2B, s0  }
0xbd: {  	[sflag:s0] =	ssyncadd.remote.s32 $0x1  }
0xbe: {  	_ =	sfence.sel $0xFFFF  }
0xbf: {  	[dreg:$0x0] =	wrdreg $0xFFFFFFFF;
	(pc) =	sbr.abs _section_cstart, $3  }
0xc0: {  	[dreg:$0x1] =	wrdreg $0xFFFFFFFF  }
0xc1: {  	_ =	task.clear_ibuf [dreg:s7], $0x2FFFF;
	_ =	strace $0x9FFFFFFF  }
0xc2: {  	(tm) =	ssettm $0x7FFFFFFF  }
0xc3: {  	_ =	shalt  }
tec
execute0_lowered:
.L_overlay_start_1:
0x0: {  	(tag) =	ssettag $0x1  }
0x1: {  	s0 =	rddreg [dreg:$0x0]  }
0x2: {  	s1 =	rddreg [dreg:$0x1]  }
0x3: {  	s3 =	srdreg.scid;
	s11 =	stileid.u32;
	s2 =	simm.s32 $0x0  }
0x4: {  	s28 =	simm.s32 $0x2;
	s30 =	simm.s32 $0x3;
	s24 =	smul.u32 $0x640000, s11  }
0x5: {  	s4 =	sand.u32 $0x1, s3;
	s19 =	sshll.u32 s11, $0x1;
	s15 =	smul.u32 $0xC8000, s11  }
0x6: {  	[smem:$0x7FF] =	sst s2;
	s8 =	sadd.s32 $0x7A2200, s1;
	s26 =	smul.u32 $0x320000, s4  }
0x7: {  	s5 =	sor.u32 s4, s19;
	s6 =	ssub.s32 $0x2, s4;
	s4 =	smul.u32 $0x64000, s4  }
0x8: {  	s3 =	sadd.s32 $0x1000, s1;
	s11 =	simm.s32 $0xA;
	s7 =	smul.u32 $0x64000, s5  }
0x9: {  	_ =	strace $0x8000004A;
	s10 =	smul.u32 $0x1900, s5;
	s17 =	sadd.s32 s15, s8  }
0xa: {  	s9 =	sshrl.u32 s6, $0x1;
	s21 =	smul.u32 $0x320000, s5;
	s4 =	sadd.s32 s4, s17  }
0xb: {  	s15 =	simm.s32 $0xC;
	s0 =	sadd.s32 s0, s10;
	[dreg:$0x4] =	wrdreg s4  }
0xc: {  	s1 =	ssub.s32 s6, s9;
	s7 =	sadd.s32 s8, s7;
	[dreg:$0xa] =	wrdreg s0  }
0xd: {  	s5 =	sadd.s32 s26, s24;
	s20 =	sadd.s32 $0x400, s7;
	[dreg:$0x9] =	wrdreg s7  }
0xe: {  	s17 =	simm.s32 $0xE;
	s22 =	sadd.s32 $0x800, s7;
	[dreg:$0xb] =	wrdreg s20  }
0xf: {  	s13 =	sor.u32 $0x10000, s5;
	s23 =	sadd.s32 $0xC00, s7;
	[dreg:$0xc] =	wrdreg s22  }
0x10: {  	s18 =	sor.u32 $0x1E000, s5;
	s25 =	sadd.s32 $0x1000, s7;
	[dreg:$0xd] =	wrdreg s23  }
0x11: {  	s24 =	sor.u32 $0x1A000, s5;
	s29 =	sadd.s32 $0x1400, s7;
	[dreg:$0xe] =	wrdreg s25  }
0x12: {  	s0 =	sshrl.u32 s21, $0x3;
	s31 =	sadd.s32 $0x1800, s7;
	[dreg:$0xf] =	wrdreg s29  }
0x13: {  	s7 =	sadd.s32 $0x1C00, s7;
	s6 =	sshrl.u32 s13, $0x3;
	[dreg:$0x10] =	wrdreg s31  }
0x14: {  	s13 =	simm.s32 $0xB;
	[dreg:$0x11] =	wrdreg s7;
	s6 =	sadd.s32 s6, s8  }
0x15: {  	s0 =	sadd.s32 s8, s0;
	s31 =	smax.u32 s1, $0x1;
	[dreg:$0x3] =	wrdreg s6  }
0x16: {  	s20 =	sshrl.u32 s18, $0x3;
	s9 =	sadd.s32 $0x62000, s0;
	[dreg:$0x1a] =	wrdreg s31  }
0x17: {  	s22 =	sor.u32 $0x1C000, s5;
	s10 =	sadd.s32 $0x62400, s0;
	[dreg:$0x12] =	wrdreg s9  }
0x18: {  	s5 =	sor.u32 $0x18000, s5;
	s12 =	sadd.s32 $0x62800, s0;
	[dreg:$0x13] =	wrdreg s10  }
0x19: {  	s18 =	simm.s32 $0xF;
	s14 =	sadd.s32 $0x62C00, s0;
	[dreg:$0x14] =	wrdreg s12  }
0x1a: {  	s16 =	sadd.s32 $0x63000, s0;
	s19 =	sadd.s32 $0x63400, s0;
	[dreg:$0x15] =	wrdreg s14  }
0x1b: {  	s21 =	sadd.s32 s20, s8;
	s23 =	sshrl.u32 s22, $0x3;
	[dreg:$0x16] =	wrdreg s16  }
0x1c: {  	s6 =	sshrl.u32 s24, $0x3;
	s5 =	sshrl.u32 s5, $0x3;
	[dreg:$0x17] =	wrdreg s19  }
0x1d: {  	s26 =	sadd.s32 $0x63800, s0;
	s0 =	sadd.s32 $0x63C00, s0;
	[dreg:$0x5] =	wrdreg s21  }
0x1e: {  	s4 =	sadd.s32 s23, s8;
	s25 =	sadd.s32 s6, s8;
	[dreg:$0x18] =	wrdreg s26  }
0x1f: {  	s29 =	sadd.s32 s5, s8;
	[dreg:$0x19] =	wrdreg s0;
	s23 =	simm.s32 $0x40  }
0x20: {  	s6 =	simm.s32 $0x4;
	s8 =	simm.s32 $0x5;
	s9 =	simm.s32 $0x9  }
0x21: {  	s10 =	simm.s32 $0x6;
	s12 =	simm.s32 $0x7;
	[dreg:$0x6] =	wrdreg s4  }
0x22: {  	s14 =	simm.s32 $0x8;
	s16 =	simm.s32 $0xD;
	[dreg:$0x7] =	wrdreg s25  }
0x23: {  	s19 =	simm.s32 $0x10;
	s0 =	simm.s32 $0x0;
	[dreg:$0x8] =	wrdreg s29  }
.LBB2_1:
0x24: {  	[dreg:$0x1b] =	wrdreg s0  }
0x25: {  	s4 =	rddreg [dreg:$0xa];
	s29 =	simm.s32 $0x11  }
0x26: {  	[tilespmem:s2], [sflag:$0x11] =	stream.linear.gather [hbm4b:s4+s2], $0xC800, $0x38;
	[tilespmem:$0x1C800] =	vst v63  }
0x27: {  	_ =	swait.ge [sflag:s29], $0xC800  }
0x28: {  	[sflag:s29] =	ssyncset.done $0x0  }
0x29: {  	s21 =	simm.s32 $0xC800;
	[sflag:s29] =	ssyncadd.s32 $0xFFFF3800  }
0x2a: {  	[tilespmem:s21], [sflag:$0x1] =	stream.indirect.gather [hbm4b:s3+s23], $0x80, s2, s23, $0xb8;
	[tilespmem:$0x1C800] =	vst v63  }
0x2b: {  	s31 =	simm.s32 $0x80;
	s22 =	simm.s32 $0xE800  }
0x2c: {  	[tilespmem:s22], [sflag:$0x2] =	stream.indirect.gather [hbm4b:s3+s23], $0x80, s31, s23, $0xb8;
	[tilespmem:$0x1C800] =	vst v63  }
0x2d: {  	s0 =	simm.s32 $0x100;
	s24 =	simm.s32 $0x10800  }
0x2e: {  	[tilespmem:s24], [sflag:$0x3] =	stream.indirect.gather [hbm4b:s3+s23], $0x80, s0, s23, $0xb8;
	[tilespmem:$0x1C800] =	vst v63  }
0x2f: {  	s1 =	simm.s32 $0x180;
	s25 =	simm.s32 $0x12800;
	s0 =	simm.s32 $0x1  }
0x30: {  	[tilespmem:s25], [sflag:$0x4] =	stream.indirect.gather [hbm4b:s3+s23], $0x80, s1, s23, $0xb8;
	[tilespmem:$0x1C800] =	vst v63  }
0x31: {  	_ =	swait.ge [sflag:s0], $0x2000  }
0x32: {  	[sflag:s0] =	ssyncset.done $0x0  }
0x33: {  	s5 =	rddreg [dreg:$0x9];
	[sflag:s0] =	ssyncadd.s32 $0xFFFFE000  }
0x34: {  	[hbm4b:s5+s2] =	stream.linear.scatter [tilespmem:s21], [sflag:$0x9], $0x2000, $0x38;
	[tilespmem:$0x1C800] =	vst v63  }
0x35: {  	s26 =	simm.s32 $0x14800;
	s1 =	simm.s32 $0x200  }
0x36: {  	[tilespmem:s26], [sflag:$0x5] =	stream.indirect.gather [hbm4b:s3+s23], $0x80, s1, s23, $0xb8;
	[tilespmem:$0x1C800] =	vst v63  }
0x37: {  	_ =	swait.ge [sflag:s28], $0x2000  }
0x38: {  	[sflag:s28] =	ssyncset.done $0x0  }
0x39: {  	s7 =	rddreg [dreg:$0xb];
	[sflag:s28] =	ssyncadd.s32 $0xFFFFE000  }
0x3a: {  	[hbm4b:s7+s2] =	stream.linear.scatter [tilespmem:s22], [sflag:$0xA], $0x2000, $0x38;
	[tilespmem:$0x1C800] =	vst v63  }
0x3b: {  	s20 =	simm.s32 $0x280;
	s5 =	simm.s32 $0x16800  }
0x3c: {  	[tilespmem:s5], [sflag:$0x6] =	stream.indirect.gather [hbm4b:s3+s23], $0x80, s20, s23, $0xb8;
	[tilespmem:$0x1C800] =	vst v63  }
0x3d: {  	_ =	swait.ge [sflag:s30], $0x2000  }
0x3e: {  	[sflag:s30] =	ssyncset.done $0x0  }
0x3f: {  	s29 =	rddreg [dreg:$0xc];
	[sflag:s30] =	ssyncadd.s32 $0xFFFFE000  }
0x40: {  	[hbm4b:s29+s2] =	stream.linear.scatter [tilespmem:s24], [sflag:$0xB], $0x2000, $0x38;
	[tilespmem:$0x1C800] =	vst v63  }
0x41: {  	s31 =	simm.s32 $0x300;
	s7 =	simm.s32 $0x18800  }
0x42: {  	[tilespmem:s7], [sflag:$0x7] =	stream.indirect.gather [hbm4b:s3+s23], $0x80, s31, s23, $0xb8;
	[tilespmem:$0x1C800] =	vst v63  }
0x43: {  	_ =	swait.ge [sflag:s6], $0x2000  }
0x44: {  	[sflag:s6] =	ssyncset.done $0x0  }
0x45: {  	s1 =	rddreg [dreg:$0xd];
	[sflag:s6] =	ssyncadd.s32 $0xFFFFE000  }
0x46: {  	[hbm4b:s1+s2] =	stream.linear.scatter [tilespmem:s25], [sflag:$0xC], $0x2000, $0x38;
	[tilespmem:$0x1C800] =	vst v63  }
0x47: {  	s4 =	simm.s32 $0x380;
	s29 =	simm.s32 $0x1A800  }
0x48: {  	[tilespmem:s29], [sflag:$0x8] =	stream.indirect.gather [hbm4b:s3+s23], $0x80, s4, s23, $0xb8;
	[tilespmem:$0x1C800] =	vst v63  }
0x49: {  	_ =	swait.ge [sflag:s8], $0x2000  }
0x4a: {  	[sflag:s8] =	ssyncset.done $0x0  }
0x4b: {  	s20 =	rddreg [dreg:$0xe];
	[sflag:s8] =	ssyncadd.s32 $0xFFFFE000  }
0x4c: {  	[hbm4b:s20+s2] =	stream.linear.scatter [tilespmem:s26], [sflag:$0xD], $0x2000, $0x38;
	[tilespmem:$0x1C800] =	vst v63  }
0x4d: {  	_ =	swait.ge [sflag:s9], $0x2000  }
0x4e: {  	[sflag:s9] =	ssyncset.done $0x0  }
0x4f: {  	s31 =	simm.s32 $0x400;
	[sflag:s9] =	ssyncadd.s32 $0xFFFFE000  }
0x50: {  	[tilespmem:s21], [sflag:$0x1] =	stream.indirect.gather [hbm4b:s3+s23], $0x80, s31, s23, $0xb8;
	[tilespmem:$0x1C800] =	vst v63  }
0x51: {  	_ =	swait.ge [sflag:s10], $0x2000  }
0x52: {  	[sflag:s10] =	ssyncset.done $0x0  }
0x53: {  	s1 =	rddreg [dreg:$0xf];
	[sflag:s10] =	ssyncadd.s32 $0xFFFFE000  }
0x54: {  	[hbm4b:s1+s2] =	stream.linear.scatter [tilespmem:s5], [sflag:$0xE], $0x2000, $0x38;
	[tilespmem:$0x1C800] =	vst v63  }
0x55: {  	_ =	swait.ge [sflag:s11], $0x2000  }
0x56: {  	[sflag:s11] =	ssyncset.done $0x0  }
0x57: {  	s4 =	simm.s32 $0x480;
	[sflag:s11] =	ssyncadd.s32 $0xFFFFE000  }
0x58: {  	[tilespmem:s22], [sflag:$0x2] =	stream.indirect.gather [hbm4b:s3+s23], $0x80, s4, s23, $0xb8;
	[tilespmem:$0x1C800] =	vst v63  }
0x59: {  	_ =	swait.ge [sflag:s12], $0x2000  }
0x5a: {  	[sflag:s12] =	ssyncset.done $0x0  }
0x5b: {  	s20 =	rddreg [dreg:$0x10];
	[sflag:s12] =	ssyncadd.s32 $0xFFFFE000  }
0x5c: {  	[hbm4b:s20+s2] =	stream.linear.scatter [tilespmem:s7], [sflag:$0xF], $0x2000, $0x38;
	[tilespmem:$0x1C800] =	vst v63  }
0x5d: {  	_ =	swait.ge [sflag:s13], $0x2000  }
0x5e: {  	[sflag:s13] =	ssyncset.done $0x0  }
0x5f: {  	s31 =	simm.s32 $0x500;
	[sflag:s13] =	ssyncadd.s32 $0xFFFFE000  }
0x60: {  	[tilespmem:s24], [sflag:$0x3] =	stream.indirect.gather [hbm4b:s3+s23], $0x80, s31, s23, $0xb8;
	[tilespmem:$0x1C800] =	vst v63  }
0x61: {  	_ =	swait.ge [sflag:s14], $0x2000  }
0x62: {  	[sflag:s14] =	ssyncset.done $0x0  }
0x63: {  	s1 =	rddreg [dreg:$0x11];
	[sflag:s14] =	ssyncadd.s32 $0xFFFFE000  }
0x64: {  	[hbm4b:s1+s2] =	stream.linear.scatter [tilespmem:s29], [sflag:$0x10], $0x2000, $0x38;
	[tilespmem:$0x1C800] =	vst v63  }
0x65: {  	_ =	swait.ge [sflag:s15], $0x2000  }
0x66: {  	[sflag:s15] =	ssyncset.done $0x0  }
0x67: {  	s20 =	simm.s32 $0x580;
	[sflag:s15] =	ssyncadd.s32 $0xFFFFE000  }
0x68: {  	[tilespmem:s25], [sflag:$0x4] =	stream.indirect.gather [hbm4b:s3+s23], $0x80, s20, s23, $0xb8;
	[tilespmem:$0x1C800] =	vst v63  }
0x69: {  	_ =	swait.ge [sflag:s0], $0x2000  }
0x6a: {  	s31 =	rddreg [dreg:$0x3];
	[sflag:s0] =	ssyncset.done $0x0  }
0x6b: {  	[sflag:s0] =	ssyncadd.s32 $0xFFFFE000;
	s4 =	sadd.s32 $0x0, s31  }
0x6c: {  	[hbm4b:s4+s2] =	stream.linear.scatter [tilespmem:s21], [sflag:$0x9], $0x2000, $0x38;
	[tilespmem:$0x1C800] =	vst v63  }
0x6d: {  	_ =	swait.ge [sflag:s16], $0x2000  }
0x6e: {  	[sflag:s16] =	ssyncset.done $0x0  }
0x6f: {  	s1 =	simm.s32 $0x600;
	[sflag:s16] =	ssyncadd.s32 $0xFFFFE000  }
0x70: {  	[tilespmem:s26], [sflag:$0x5] =	stream.indirect.gather [hbm4b:s3+s23], $0x80, s1, s23, $0xb8;
	[tilespmem:$0x1C800] =	vst v63  }
0x71: {  	_ =	swait.ge [sflag:s28], $0x2000  }
0x72: {  	s20 =	rddreg [dreg:$0x4]  }
0x73: {  	[sflag:s28] =	ssyncset.done $0x0;
	s4 =	sadd.s32 $0x0, s20  }
0x74: {  	[sflag:s28] =	ssyncadd.s32 $0xFFFFE000;
	s20 =	sadd.s32 $0x2400, s4  }
0x75: {  	[hbm4b:s20+s2] =	stream.linear.scatter [tilespmem:s22], [sflag:$0xA], $0x2000, $0x38;
	[tilespmem:$0x1C800] =	vst v63  }
0x76: {  	_ =	swait.ge [sflag:s17], $0x2000  }
0x77: {  	[sflag:s17] =	ssyncset.done $0x0  }
0x78: {  	s31 =	simm.s32 $0x680;
	[sflag:s17] =	ssyncadd.s32 $0xFFFFE000  }
0x79: {  	[tilespmem:s5], [sflag:$0x6] =	stream.indirect.gather [hbm4b:s3+s23], $0x80, s31, s23, $0xb8;
	[tilespmem:$0x1C800] =	vst v63  }
0x7a: {  	_ =	swait.ge [sflag:s30], $0x2000  }
0x7b: {  	[sflag:s30] =	ssyncset.done $0x0  }
0x7c: {  	s0 =	sadd.s32 $0x2800, s4;
	[sflag:s30] =	ssyncadd.s32 $0xFFFFE000  }
0x7d: {  	[hbm4b:s0+s2] =	stream.linear.scatter [tilespmem:s24], [sflag:$0xB], $0x2000, $0x38;
	[tilespmem:$0x1C800] =	vst v63  }
0x7e: {  	_ =	swait.ge [sflag:s18], $0x2000  }
0x7f: {  	[sflag:s18] =	ssyncset.done $0x0  }
0x80: {  	s1 =	simm.s32 $0x700;
	[sflag:s18] =	ssyncadd.s32 $0xFFFFE000  }
0x81: {  	[tilespmem:s7], [sflag:$0x7] =	stream.indirect.gather [hbm4b:s3+s23], $0x80, s1, s23, $0xb8;
	[tilespmem:$0x1C800] =	vst v63  }
0x82: {  	_ =	swait.ge [sflag:s6], $0x2000  }
0x83: {  	[sflag:s6] =	ssyncset.done $0x0  }
0x84: {  	s4 =	sadd.s32 $0x2C00, s4;
	[sflag:s6] =	ssyncadd.s32 $0xFFFFE000  }
0x85: {  	[hbm4b:s4+s2] =	stream.linear.scatter [tilespmem:s25], [sflag:$0xC], $0x2000, $0x38;
	[tilespmem:$0x1C800] =	vst v63  }
0x86: {  	_ =	swait.ge [sflag:s19], $0x2000  }
0x87: {  	[sflag:s19] =	ssyncset.done $0x0  }
0x88: {  	s31 =	simm.s32 $0x780;
	[sflag:s19] =	ssyncadd.s32 $0xFFFFE000  }
0x89: {  	[tilespmem:s29], [sflag:$0x8] =	stream.indirect.gather [hbm4b:s3+s23], $0x80, s31, s23, $0xb8;
	[tilespmem:$0x1C800] =	vst v63  }
0x8a: {  	_ =	swait.ge [sflag:s8], $0x2000  }
0x8b: {  	s0 =	rddreg [dreg:$0x8];
	[sflag:s8] =	ssyncset.done $0x0  }
0x8c: {  	[sflag:s8] =	ssyncadd.s32 $0xFFFFE000;
	s4 =	sadd.s32 $0x0, s0  }
0x8d: {  	[hbm4b:s4+s2] =	stream.linear.scatter [tilespmem:s26], [sflag:$0xD], $0x2000, $0x38;
	[tilespmem:$0x1C800] =	vst v63  }
0x8e: {  	_ =	swait.ge [sflag:s9], $0x2000  }
0x8f: {  	[sflag:s9] =	ssyncset.done $0x0  }
0x90: {  	s1 =	simm.s32 $0x800;
	[sflag:s9] =	ssyncadd.s32 $0xFFFFE000  }
0x91: {  	[tilespmem:s21], [sflag:$0x1] =	stream.indirect.gather [hbm4b:s3+s23], $0x80, s1, s23, $0xb8;
	[tilespmem:$0x1C800] =	vst v63  }
0x92: {  	_ =	swait.ge [sflag:s10], $0x2000  }
0x93: {  	s20 =	rddreg [dreg:$0x7];
	[sflag:s10] =	ssyncset.done $0x0  }
0x94: {  	[sflag:s10] =	ssyncadd.s32 $0xFFFFE000;
	s4 =	sadd.s32 $0x0, s20  }
0x95: {  	[hbm4b:s4+s2] =	stream.linear.scatter [tilespmem:s5], [sflag:$0xE], $0x2000, $0x38;
	[tilespmem:$0x1C800] =	vst v63  }
0x96: {  	_ =	swait.ge [sflag:s11], $0x2000  }
0x97: {  	[sflag:s11] =	ssyncset.done $0x0  }
0x98: {  	s21 =	simm.s32 $0x880;
	[sflag:s11] =	ssyncadd.s32 $0xFFFFE000  }
0x99: {  	[tilespmem:s22], [sflag:$0x2] =	stream.indirect.gather [hbm4b:s3+s23], $0x80, s21, s23, $0xb8;
	[tilespmem:$0x1C800] =	vst v63  }
0x9a: {  	_ =	swait.ge [sflag:s12], $0x2000  }
0x9b: {  	s25 =	rddreg [dreg:$0x6];
	[sflag:s12] =	ssyncset.done $0x0  }
0x9c: {  	[sflag:s12] =	ssyncadd.s32 $0xFFFFE000;
	s4 =	sadd.s32 $0x0, s25  }
0x9d: {  	[hbm4b:s4+s2] =	stream.linear.scatter [tilespmem:s7], [sflag:$0xF], $0x2000, $0x38;
	[tilespmem:$0x1C800] =	vst v63  }
0x9e: {  	_ =	swait.ge [sflag:s13], $0x2000  }
0x9f: {  	[sflag:s13] =	ssyncset.done $0x0  }
0xa0: {  	s26 =	simm.s32 $0x900;
	[sflag:s13] =	ssyncadd.s32 $0xFFFFE000  }
0xa1: {  	[tilespmem:s24], [sflag:$0x3] =	stream.indirect.gather [hbm4b:s3+s23], $0x80, s26, s23, $0xb8;
	[tilespmem:$0x1C800] =	vst v63  }
0xa2: {  	_ =	swait.ge [sflag:s14], $0x2000  }
0xa3: {  	s31 =	rddreg [dreg:$0x5];
	[sflag:s14] =	ssyncset.done $0x0  }
0xa4: {  	[sflag:s14] =	ssyncadd.s32 $0xFFFFE000;
	s4 =	sadd.s32 $0x0, s31  }
0xa5: {  	[hbm4b:s4+s2] =	stream.linear.scatter [tilespmem:s29], [sflag:$0x10], $0x2000, $0x38;
	[tilespmem:$0x1C800] =	vst v63  }
0xa6: {  	_ =	swait.ge [sflag:s15], $0x2000  }
0xa7: {  	s21 =	simm.s32 $0x980;
	[sflag:s15] =	ssyncset.done $0x0  }
0xa8: {  	s22 =	simm.s32 $0xD80;
	s4 =	simm.s32 $0x2000;
	[sflag:s15] =	ssyncadd.s32 $0xFFFFE000  }
.LBB2_2:
0xa9: {  	s1 =	simm.s32 $0x12800;
	s0 =	simm.s32 $0x1  }
0xaa: {  	[tilespmem:s1], [sflag:$0x4] =	stream.indirect.gather [hbm4b:s3+s23], $0x80, s21, s23, $0xb8;
	[tilespmem:$0x1C800] =	vst v63  }
0xab: {  	_ =	swait.ge [sflag:s0], $0x2000  }
0xac: {  	s20 =	smov.u32 s4;
	s24 =	rddreg [dreg:$0x3];
	[sflag:s0] =	ssyncset.done $0x0  }
0xad: {  	s29 =	simm.s32 $0xC800;
	[sflag:s0] =	ssyncadd.s32 $0xFFFFE000;
	s24 =	sadd.s32 s20, s24  }
0xae: {  	[hbm4b:s24+s2] =	stream.linear.scatter [tilespmem:s29], [sflag:$0x9], $0x2000, $0x38;
	[tilespmem:$0x1C800] =	vst v63  }
0xaf: {  	_ =	swait.ge [sflag:s16], $0x2000  }
0xb0: {  	[sflag:s16] =	ssyncset.done $0x0  }
0xb1: {  	s5 =	simm.s32 $0x14800;
	s0 =	sadd.s32 $0xFFFFFC80, s22;
	[sflag:s16] =	ssyncadd.s32 $0xFFFFE000  }
0xb2: {  	[tilespmem:s5], [sflag:$0x5] =	stream.indirect.gather [hbm4b:s3+s23], $0x80, s0, s23, $0xb8;
	[tilespmem:$0x1C800] =	vst v63  }
0xb3: {  	_ =	swait.ge [sflag:s28], $0x2000  }
0xb4: {  	s7 =	rddreg [dreg:$0x4]  }
0xb5: {  	[sflag:s28] =	ssyncset.done $0x0;
	s24 =	sadd.s32 s20, s7  }
0xb6: {  	s31 =	simm.s32 $0xE800;
	[sflag:s28] =	ssyncadd.s32 $0xFFFFE000;
	s26 =	sadd.s32 $0x2400, s24  }
0xb7: {  	[hbm4b:s26+s2] =	stream.linear.scatter [tilespmem:s31], [sflag:$0xA], $0x2000, $0x38;
	[tilespmem:$0x1C800] =	vst v63  }
0xb8: {  	_ =	swait.ge [sflag:s17], $0x2000  }
0xb9: {  	[sflag:s17] =	ssyncset.done $0x0  }
0xba: {  	s25 =	sadd.s32 $0xFFFFFD00, s22;
	s7 =	simm.s32 $0x16800;
	[sflag:s17] =	ssyncadd.s32 $0xFFFFE000  }
0xbb: {  	[tilespmem:s7], [sflag:$0x6] =	stream.indirect.gather [hbm4b:s3+s23], $0x80, s25, s23, $0xb8;
	[tilespmem:$0x1C800] =	vst v63  }
0xbc: {  	_ =	swait.ge [sflag:s30], $0x2000  }
0xbd: {  	[sflag:s30] =	ssyncset.done $0x0  }
0xbe: {  	s0 =	sadd.s32 $0x2800, s24;
	s25 =	simm.s32 $0x10800;
	[sflag:s30] =	ssyncadd.s32 $0xFFFFE000  }
0xbf: {  	[hbm4b:s0+s2] =	stream.linear.scatter [tilespmem:s25], [sflag:$0xB], $0x2000, $0x38;
	[tilespmem:$0x1C800] =	vst v63  }
0xc0: {  	_ =	swait.ge [sflag:s18], $0x2000  }
0xc1: {  	[sflag:s18] =	ssyncset.done $0x0  }
0xc2: {  	s26 =	sadd.s32 $0xFFFFFD80, s22;
	s0 =	simm.s32 $0x18800;
	[sflag:s18] =	ssyncadd.s32 $0xFFFFE000  }
0xc3: {  	[tilespmem:s0], [sflag:$0x7] =	stream.indirect.gather [hbm4b:s3+s23], $0x80, s26, s23, $0xb8;
	[tilespmem:$0x1C800] =	vst v63  }
0xc4: {  	_ =	swait.ge [sflag:s6], $0x2000  }
0xc5: {  	[sflag:s6] =	ssyncset.done $0x0  }
0xc6: {  	s24 =	sadd.s32 $0x2C00, s24;
	[sflag:s6] =	ssyncadd.s32 $0xFFFFE000  }
0xc7: {  	[hbm4b:s24+s2] =	stream.linear.scatter [tilespmem:s1], [sflag:$0xC], $0x2000, $0x38;
	[tilespmem:$0x1C800] =	vst v63  }
0xc8: {  	_ =	swait.ge [sflag:s19], $0x2000  }
0xc9: {  	[sflag:s19] =	ssyncset.done $0x0  }
0xca: {  	s26 =	sadd.s32 $0xFFFFFE00, s22;
	s1 =	simm.s32 $0x1A800;
	[sflag:s19] =	ssyncadd.s32 $0xFFFFE000  }
0xcb: {  	[tilespmem:s1], [sflag:$0x8] =	stream.indirect.gather [hbm4b:s3+s23], $0x80, s26, s23, $0xb8;
	[tilespmem:$0x1C800] =	vst v63  }
0xcc: {  	_ =	swait.ge [sflag:s8], $0x2000  }
0xcd: {  	s26 =	rddreg [dreg:$0x8];
	[sflag:s8] =	ssyncset.done $0x0  }
0xce: {  	[sflag:s8] =	ssyncadd.s32 $0xFFFFE000;
	s24 =	sadd.s32 s20, s26  }
0xcf: {  	[hbm4b:s24+s2] =	stream.linear.scatter [tilespmem:s5], [sflag:$0xD], $0x2000, $0x38;
	[tilespmem:$0x1C800] =	vst v63  }
0xd0: {  	_ =	swait.ge [sflag:s9], $0x2000  }
0xd1: {  	[sflag:s9] =	ssyncset.done $0x0  }
0xd2: {  	s5 =	sadd.s32 $0xFFFFFE80, s22;
	[sflag:s9] =	ssyncadd.s32 $0xFFFFE000  }
0xd3: {  	[tilespmem:s29], [sflag:$0x1] =	stream.indirect.gather [hbm4b:s3+s23], $0x80, s5, s23, $0xb8;
	[tilespmem:$0x1C800] =	vst v63  }
0xd4: {  	_ =	swait.ge [sflag:s10], $0x2000  }
0xd5: {  	s5 =	rddreg [dreg:$0x7];
	[sflag:s10] =	ssyncset.done $0x0  }
0xd6: {  	[sflag:s10] =	ssyncadd.s32 $0xFFFFE000;
	s24 =	sadd.s32 s20, s5  }
0xd7: {  	[hbm4b:s24+s2] =	stream.linear.scatter [tilespmem:s7], [sflag:$0xE], $0x2000, $0x38;
	[tilespmem:$0x1C800] =	vst v63  }
0xd8: {  	_ =	swait.ge [sflag:s11], $0x2000  }
0xd9: {  	[sflag:s11] =	ssyncset.done $0x0  }
0xda: {  	s7 =	sadd.s32 $0xFFFFFF00, s22;
	[sflag:s11] =	ssyncadd.s32 $0xFFFFE000  }
0xdb: {  	[tilespmem:s31], [sflag:$0x2] =	stream.indirect.gather [hbm4b:s3+s23], $0x80, s7, s23, $0xb8;
	[tilespmem:$0x1C800] =	vst v63  }
0xdc: {  	_ =	swait.ge [sflag:s12], $0x2000  }
0xdd: {  	s5 =	rddreg [dreg:$0x6];
	[sflag:s12] =	ssyncset.done $0x0  }
0xde: {  	[sflag:s12] =	ssyncadd.s32 $0xFFFFE000;
	s24 =	sadd.s32 s20, s5  }
0xdf: {  	[hbm4b:s24+s2] =	stream.linear.scatter [tilespmem:s0], [sflag:$0xF], $0x2000, $0x38;
	[tilespmem:$0x1C800] =	vst v63  }
0xe0: {  	_ =	swait.ge [sflag:s13], $0x2000  }
0xe1: {  	[sflag:s13] =	ssyncset.done $0x0  }
0xe2: {  	s7 =	sadd.s32 $0xFFFFFF80, s22;
	[sflag:s13] =	ssyncadd.s32 $0xFFFFE000  }
0xe3: {  	[tilespmem:s25], [sflag:$0x3] =	stream.indirect.gather [hbm4b:s3+s23], $0x80, s7, s23, $0xb8;
	[tilespmem:$0x1C800] =	vst v63  }
0xe4: {  	_ =	swait.ge [sflag:s14], $0x2000  }
0xe5: {  	p0 =	sne.s32 s4, $0x5E000;
	s25 =	rddreg [dreg:$0x5];
	[sflag:s14] =	ssyncset.done $0x0  }
.Ltmp0:
0xe6: {  	[sflag:s14] =	ssyncadd.s32 $0xFFFFE000;
	s20 =	sadd.s32 s20, s25;
	(pc) =	sbr.rel @p0 .LBB2_2-.Ltmp0, $4  }
0xe7: {  	[hbm4b:s20+s2] =	stream.linear.scatter [tilespmem:s1], [sflag:$0x10], $0x2000, $0x38;
	[tilespmem:$0x1C800] =	vst v63  }
0xe8: {  	s4 =	sadd.s32 $0x2000, s4;
	s21 =	smov.u32 s22;
	_ =	swait.ge [sflag:s15], $0x2000  }
0xe9: {  	s26 =	simm.s32 $0xC800;
	s29 =	simm.s32 $0xE800;
	[sflag:s15] =	ssyncset.done $0x0  }
0xea: {  	s31 =	simm.s32 $0x10800;
	s22 =	sadd.s32 $0x400, s22;
	[sflag:s15] =	ssyncadd.s32 $0xFFFFE000  }
0xeb: {  	s1 =	simm.s32 $0x12800;
	s0 =	simm.s32 $0x1  }
0xec: {  	[tilespmem:s1], [sflag:$0x4] =	stream.indirect.gather [hbm4b:s3+s23], $0x80, s21, s23, $0xb8;
	[tilespmem:$0x1C800] =	vst v63  }
0xed: {  	_ =	swait.ge [sflag:s0], $0x2000  }
0xee: {  	[sflag:s0] =	ssyncset.done $0x0  }
0xef: {  	s4 =	rddreg [dreg:$0x12];
	[sflag:s0] =	ssyncadd.s32 $0xFFFFE000  }
0xf0: {  	[hbm4b:s4+s2] =	stream.linear.scatter [tilespmem:s26], [sflag:$0x9], $0x2000, $0x38;
	[tilespmem:$0x1C800] =	vst v63  }
0xf1: {  	_ =	swait.ge [sflag:s16], $0x2000  }
0xf2: {  	[sflag:s16] =	ssyncset.done $0x0  }
0xf3: {  	s5 =	simm.s32 $0x14800;
	s21 =	simm.s32 $0xC600;
	[sflag:s16] =	ssyncadd.s32 $0xFFFFE000  }
0xf4: {  	[tilespmem:s5], [sflag:$0x5] =	stream.indirect.gather [hbm4b:s3+s23], $0x80, s21, s23, $0xb8;
	[tilespmem:$0x1C800] =	vst v63  }
0xf5: {  	_ =	swait.ge [sflag:s28], $0x2000  }
0xf6: {  	[sflag:s28] =	ssyncset.done $0x0  }
0xf7: {  	s22 =	rddreg [dreg:$0x13];
	[sflag:s28] =	ssyncadd.s32 $0xFFFFE000  }
0xf8: {  	[hbm4b:s22+s2] =	stream.linear.scatter [tilespmem:s29], [sflag:$0xA], $0x2000, $0x38;
	[tilespmem:$0x1C800] =	vst v63  }
0xf9: {  	_ =	swait.ge [sflag:s17], $0x2000  }
0xfa: {  	[sflag:s17] =	ssyncset.done $0x0  }
0xfb: {  	s7 =	simm.s32 $0x16800;
	s24 =	simm.s32 $0xC680;
	[sflag:s17] =	ssyncadd.s32 $0xFFFFE000  }
0xfc: {  	[tilespmem:s7], [sflag:$0x6] =	stream.indirect.gather [hbm4b:s3+s23], $0x80, s24, s23, $0xb8;
	[tilespmem:$0x1C800] =	vst v63  }
0xfd: {  	_ =	swait.ge [sflag:s30], $0x2000  }
0xfe: {  	[sflag:s30] =	ssyncset.done $0x0  }
0xff: {  	s25 =	rddreg [dreg:$0x14];
	[sflag:s30] =	ssyncadd.s32 $0xFFFFE000  }
0x100: {  	[hbm4b:s25+s2] =	stream.linear.scatter [tilespmem:s31], [sflag:$0xB], $0x2000, $0x38;
	[tilespmem:$0x1C800] =	vst v63  }
0x101: {  	_ =	swait.ge [sflag:s18], $0x2000  }
0x102: {  	[sflag:s18] =	ssyncset.done $0x0  }
0x103: {  	s26 =	simm.s32 $0x18800;
	s29 =	simm.s32 $0xC700;
	[sflag:s18] =	ssyncadd.s32 $0xFFFFE000  }
0x104: {  	[tilespmem:s26], [sflag:$0x7] =	stream.indirect.gather [hbm4b:s3+s23], $0x80, s29, s23, $0xb8;
	[tilespmem:$0x1C800] =	vst v63  }
0x105: {  	_ =	swait.ge [sflag:s6], $0x2000  }
0x106: {  	[sflag:s6] =	ssyncset.done $0x0  }
0x107: {  	s31 =	rddreg [dreg:$0x15];
	[sflag:s6] =	ssyncadd.s32 $0xFFFFE000  }
0x108: {  	[hbm4b:s31+s2] =	stream.linear.scatter [tilespmem:s1], [sflag:$0xC], $0x2000, $0x38;
	[tilespmem:$0x1C800] =	vst v63  }
0x109: {  	_ =	swait.ge [sflag:s19], $0x2000  }
0x10a: {  	[sflag:s19] =	ssyncset.done $0x0  }
0x10b: {  	s20 =	simm.s32 $0x1A800;
	s21 =	simm.s32 $0xC780;
	[sflag:s19] =	ssyncadd.s32 $0xFFFFE000  }
0x10c: {  	[tilespmem:s20], [sflag:$0x8] =	stream.indirect.gather [hbm4b:s3+s23], $0x80, s21, s23, $0xb8;
	[tilespmem:$0x1C800] =	vst v63  }
0x10d: {  	_ =	swait.ge [sflag:s8], $0x2000  }
0x10e: {  	[sflag:s8] =	ssyncset.done $0x0  }
0x10f: {  	s22 =	rddreg [dreg:$0x16];
	[sflag:s8] =	ssyncadd.s32 $0xFFFFE000  }
0x110: {  	[hbm4b:s22+s2] =	stream.linear.scatter [tilespmem:s5], [sflag:$0xD], $0x2000, $0x38;
	[tilespmem:$0x1C800] =	vst v63  }
0x111: {  	_ =	swait.ge [sflag:s10], $0x2000  }
0x112: {  	[sflag:s10] =	ssyncset.done $0x0  }
0x113: {  	s24 =	rddreg [dreg:$0x17];
	[sflag:s10] =	ssyncadd.s32 $0xFFFFE000  }
0x114: {  	[hbm4b:s24+s2] =	stream.linear.scatter [tilespmem:s7], [sflag:$0xE], $0x2000, $0x38;
	[tilespmem:$0x1C800] =	vst v63  }
0x115: {  	_ =	swait.ge [sflag:s12], $0x2000  }
0x116: {  	[sflag:s12] =	ssyncset.done $0x0  }
0x117: {  	s25 =	rddreg [dreg:$0x18];
	[sflag:s12] =	ssyncadd.s32 $0xFFFFE000  }
0x118: {  	[hbm4b:s25+s2] =	stream.linear.scatter [tilespmem:s26], [sflag:$0xF], $0x2000, $0x38;
	[tilespmem:$0x1C800] =	vst v63  }
0x119: {  	_ =	swait.ge [sflag:s14], $0x2000  }
0x11a: {  	[sflag:s14] =	ssyncset.done $0x0  }
0x11b: {  	s26 =	rddreg [dreg:$0x19];
	[sflag:s14] =	ssyncadd.s32 $0xFFFFE000  }
0x11c: {  	[hbm4b:s26+s2] =	stream.linear.scatter [tilespmem:s20], [sflag:$0x10], $0x2000, $0x38;
	[tilespmem:$0x1C800] =	vst v63  }
0x11d: {  	_ =	swait.ge [sflag:s16], $0x2000  }
0x11e: {  	[sflag:s16] =	ssyncset.done $0x0  }
0x11f: {  	[sflag:s16] =	ssyncadd.s32 $0xFFFFE000  }
0x120: {  	_ =	swait.ge [sflag:s17], $0x2000  }
0x121: {  	[sflag:s17] =	ssyncset.done $0x0  }
0x122: {  	[sflag:s17] =	ssyncadd.s32 $0xFFFFE000  }
0x123: {  	_ =	swait.ge [sflag:s18], $0x2000  }
0x124: {  	[sflag:s18] =	ssyncset.done $0x0  }
0x125: {  	[sflag:s18] =	ssyncadd.s32 $0xFFFFE000  }
0x126: {  	_ =	swait.ge [sflag:s19], $0x2000  }
0x127: {  	s29 =	rddreg [dreg:$0x1b]  }
0x128: {  	s31 =	rddreg [dreg:$0x1a];
	s0 =	sadd.s32 $0x1, s29  }
0x129: {  	p0 =	sne.s32 s0, s31  }
.Ltmp1:
0x12a: {  	_ = 	snop;
	(pc) =	sbr.rel @p0 .LBB2_1-.Ltmp1, $3  }
0x12b: {  	_ =	sdelay $0x1  }
0x12c: {  	[sflag:s19] =	ssyncset.done $0x0  }
0x12d: {  	[sflag:s19] =	ssyncadd.s32 $0xFFFFE000  }
0x12e: {  	_ =	sfence.sel $0x180000  }
0x12f: {  	[bflag:$0x0] =	sbarrier.arrive $0xFFFF  }
0x130: {  	_ =	strace $0x9000004A  }
0x131: {  	s0 =	stileid.u32;
	[bflag:$0x2] =	sbarrier.arrive $0xFFFF  }
0x132: {  	p0 =	sne.s32 s0, $0x0;
	s0 =	rddreg [dreg:$0x2]  }
0x133: {  	s0 =	sadd.s32 @!p0 $0x100000, s0  }
0x134: {  	[sflag:s0] =	ssyncadd.tile.s32 @!p0 $0x1;
	_ =	shalt  }
.Lfunc_end2:
_tile_overlayer_lowered:
.L_overlay_start_2:
0x135: {  	(tag) =	ssettag $0x2  }
0x136: {  	s0 =	rddreg [dreg:$0x0];
	s2 =	stileid.u32  }
0x137: {  	s1 =	rddreg [dreg:$0x1];
	p0 =	sne.s32 s2, $0x0  }
0x138: {  	s3 =	rddreg [dreg:$0x2];
	[bflag:$0x3] =	sbarrier.arrive $0xFFFF;
	s2 =	simm.s32 @!p0 $0x1C11  }
0x139: {  	[timem:s3], [sflag:s2] =	dma.local @!p0 [hbm:s0], s1  }
0x13a: {  	s0 =	simm.s32 @!p0 $0x11  }
0x13b: {  	_ =	swait.ge @!p0 [sflag:s0], s1  }
0x13c: {  	s1 =	ssub.s32 @!p0 $0x0, s1;
	[sflag:s0] =	ssyncset.done @!p0 $0x0  }
0x13d: {  	[sflag:s0] =	ssyncadd.s32 @!p0 s1  }
0x13e: {  	[bflag:$0x3] =	sbarrier.arrive $0xFFFF  }
0x13f: {  	_ =	shalt  }

// kernel: sparse-core-data-format-call.1.cloned.1.call-start
scs
called_computation.1_lowered:
.L_overlay_start_0:
0x0: {  	s1 =	sld [smem:$0x3FD9]  }
0x1: {  	s2 =	sld [smem:$0x3FFE];
	_ =	sdelay $0x1  }
0x2: {  	s3 =	srdreg.scid  }
0x3: {  	s0 =	sand.u32 $0x1, s3  }
0x4: {  	s17 =	sshll.u32 s0, $0xA;
	s1 =	sadd.s32 s2, s1  }
0x5: {  	s1 =	sadd.s32 s1, s17  }
0x6: {  	[smem:$0x3FC6] =	sst s1  }
0x7: {  	_ = 	snop  }
0x8: {  	(tm) =	ssettm $0x1  }
0x9: {  	s18 =	sld [smem:$0x3FFB];
	_ =	sdelay $0x3  }
0xa: {  	_ =	strace s18  }
0xb: {  	s1 =	sld [smem:$0x3FFC];
	_ =	sdelay $0x3  }
0xc: {  	_ =	strace s1  }
0xd: {  	s1 =	sld [smem:$0x3FFD];
	_ =	sdelay $0x3  }
0xe: {  	_ =	strace s1  }
0xf: {  	_ =	strace $0x8FFFFFFF  }
0x10: {  	s19 =	sld [smem:$0x3FDB];
	_ =	sdelay $0x1  }
0x11: {  	s20 =	simm.s32 $_scs_section_size  }
0x12: {  	s4 =	simm.s32 $_size__tile_overlayer_lowered;
	s5 =	simm.s32 $_tile_overlayer_lowered  }
0x13: {  	s23 =	simm.s32 $0x1BFF;
	s22 =	sshll.u32 s5, $0x1;
	s1 =	sadd.s32 s20, s19  }
0x14: {  	s6 =	simm.s32 $0x0;
	s21 =	sshll.u32 s4, $0x1;
	s4 =	sadd.s32 s22, s1  }
0x15: {  	[timem:s6], [sflag:s23] =	dma.local [hbm:s4], s21  }
0x16: {  	_ =	swait.ge [sflag:s23], s21  }
0x17: {  	s2 =	ssub.s32 $0x0, s21;
	[sflag:s23] =	ssyncset.done $0x0  }
0x18: {  	[sflag:s23] =	ssyncadd.s32 s2;
	_ =	sdelay $0x1  }
0x19: {  	s24 =	simm.s32 $0x1B8B  }
0x1a: {  	_ =	swait.ge [sflag:s24], $0x1  }
0x1b: {  	[sflag:s24] =	ssyncset.done $0x0  }
0x1c: {  	s26 =	simm.s32 $0x1B8E;
	s25 =	sld [smem:$0x3FFE];
	[sflag:s24] =	ssyncadd.s32 $0xFFFFFFFF  }
0x1d: {  	s27 =	simm.s32 $execute0_lowered;
	[smem:$0x3FD2] =	sst s26  }
0x1e: {  	s4 =	sshll.u32 s27, $0x1;
	_ =	strace $0x80000046;
	[dreg:$0x1] =	wrdreg $0xFFFFFFFF  }
0x1f: {  	s28 =	simm.s32 $_size_execute0_lowered;
	s1 =	sadd.s32 s1, s4;
	[dreg:$0x0] =	wrdreg $0x0  }
0x20: {  	s4 =	sshll.u32 s28, $0x1;
	[dreg:$0x2] =	wrdreg s1  }
0x21: {  	[dreg:$0x3] =	wrdreg s4  }
0x22: {  	[dreg:$0x4] =	wrdreg $0xC0  }
0x23: {  	_ =	task [dreg:s6], $0x5FFFF  }
0x24: {  	[dreg:$0x1] =	wrdreg $0xFFFFFFFF  }
0x25: {  	[dreg:$0x0] =	wrdreg $0x60  }
0x26: {  	[dreg:$0x2] =	wrdreg s25  }
0x27: {  	[dreg:$0x3] =	wrdreg $0x9  }
0x28: {  	_ =	task.clear_ibuf [dreg:s6], $0x4FFFF;
	_ =	strace $0x90000046  }
0x29: {  	s29 =	simm.s32 $0x9;
	_ =	strace $0x80000048  }
0x2a: {  	_ =	swait.ge [sflag:s29], $0x1  }
0x2b: {  	[sflag:s29] =	ssyncadd.s32 $0xFFFFFFFF  }
0x2c: {  	_ =	strace $0x90000048  }
0x2d: {  	_ =	sfence  }
0x2e: {  	s30 =	sld [smem:$0x0];
	_ =	sdelay $0x2  }
0x2f: {  	s31 =	sshll.u32 s3, $0xD;
	s3 =	sshrl.u32 s3, $0x2  }
0x30: {  	s2 =	sand.u32 $0x4000, s31;
	s1 =	sadd.s32 s3, s30  }
0x31: {  	s0 =	sor.u32 s2, s0;
	s1 =	sshll.u32 s1, $0x11  }
0x32: {  	s0 =	sor.u32 s1, s0  }
0x33: {  	s0 =	sadd.s32 $0x8F2B, s0  }
0x34: {  	[sflag:s0] =	ssyncadd.remote.s32 $0x1  }
0x35: {  	_ =	sfence.sel $0xFFFF  }
0x36: {  	[dreg:$0x0] =	wrdreg $0xFFFFFFFF;
	(pc) =	sbr.abs _section_cstart, $3  }
0x37: {  	[dreg:$0x1] =	wrdreg $0xFFFFFFFF  }
0x38: {  	_ =	task.clear_ibuf [dreg:s6], $0x2FFFF;
	_ =	strace $0x9FFFFFFF  }
0x39: {  	(tm) =	ssettm $0x7FFFFFFF  }
tec
execute0_lowered:
.L_overlay_start_1:
0x0: {  	(tag) =	ssettag $0x1  }
0x1: {  	s0 =	srdreg.scid  }
0x2: {  	s5 =	rddreg [dreg:$0x0];
	s1 =	stileid.u32;
	s4 =	simm.s32 $0x1  }
0x3: {  	s6 =	simm.s32 $0x2;
	s15 =	simm.s32 $0x0;
	p0 =	por $0x0, $0x0  }
0x4: {  	s8 =	simm.s32 $0x80;
	s14 =	simm.s32 $0x0;
	s2 =	sshll.u32 s0, $0x4  }
0x5: {  	s9 =	simm.s32 $0x0;
	s10 =	simm.s32 $0x0;
	s2 =	sand.u32 $0x10, s2  }
.Ltmp0:
0x6: {  	s12 =	simm.s32 $0x0;
	s3 =	sor.u32 s1, s2;
	(pc) =	sbr.rel .LBB1_1-.Ltmp0, $4  }
0x7: {  	s0 =	rddreg [dreg:$0x1];
	_ =	strace $0x80000047;
	s3 =	sshll.u32 s3, $0x7  }
0x8: {  	s13 =	simm.s32 $0x0;
	[sflag:s4] =	ssyncpa.u1 $0x0;
	s7 =	ssub.s32 $0xF4200, s3  }
0x9: {  	s2 =	sadd.s32 $0x1000, s5;
	[sflag:s6] =	ssyncpa.u1 $0x0;
	s6 =	sshrl.u32 s7, $0xC  }
0xa: {  	s5 =	sadd.s32 $0x7A2400, s5;
	s11 =	smov.u32 s3;
	s7 =	sadd.s32 $0x2, s6  }
.LBB1_5:
0xb: {  	p1 =	slt.u32 s13, $0x2  }
0xc: {  	s17 =	smov.u32 s15;
	p2 =	sgt.s32 @!p1 s15, $0xF41C0;
	s16 =	sshra.s32 @!p1 s15, $0x1F  }
0xd: {  	p3 =	sgt.s32 @!p1 s14, $0x40;
	s18 =	sshra.s32 @!p1 s14, $0x1F;
	p2 =	por !p2, p1  }
0xe: {  	s15 =	sand.u32 @!p1 s16, s15;
	p3 =	por !p3, p1;
	s16 =	smov.u32 s14  }
0xf: {  	s14 =	sand.u32 @!p1 s18, s14;
	s17 =	simm.s32 @p2 $0xF41C0;
	s16 =	simm.s32 @p3 $0x40  }
0x10: {  	s15 =	ssub.s32 @!p1 s17, s15;
	s14 =	ssub.s32 @!p1 s16, s14  }
0x11: {  	s18 =	smov.u32 s12;
	s16 =	sadd.s32 @!p1 $0xFFF0BE40, s15;
	s17 =	sadd.s32 @!p1 $0xFFFFFFC0, s14  }
0x12: {  	s15 =	ssub.s32 @!p1 $0xF4240, s15;
	p2 =	sgt.s32 @!p1 s16, $0x7F;
	p3 =	sgt.s32 @!p1 s17, $0x3F  }
0x13: {  	s14 =	ssub.s32 @!p1 $0x80, s14;
	p2 =	por !p2, p1;
	p3 =	por !p3, p1  }
0x14: {  	s16 =	sadd.s32 $0x1000, s11;
	s15 =	simm.s32 @!p2 $0x0;
	s14 =	simm.s32 @!p3 $0x0  }
0x15: {  	p2 =	sgt.s32 s16, $0xF423F;
	s14 =	smul.u32 @!p1 s14, s15;
	s15 =	sadd.s32 $0x40, s12  }
0x16: {  	s18 =	smov.u32 @p2 s15  }
0x17: {  	s16 =	smov.u32 @p2 s3;
	p2 =	sgt.s32 s18, $0x3F  }
0x18: {  	s18 =	simm.s32 @p2 $0x0;
	p2 =	sne.s32 s13, s7  }
.Ltmp1:
0x19: {  	p0 =	por !p0, !p0;
	s17 =	simm.s32 @!p1 $0x2;
	(pc) =	sbr.rel @!p2 .LBB1_6-.Ltmp1, $4  }
0x1a: {  	s15 =	smov.u32 s9;
	s9 =	smov.u32 s11;
	s14 =	sand.u32 @!p1 $0x3FFFFFFF, s14  }
0x1b: {  	s11 =	smov.u32 s16;
	_ =	swait.ge @!p1 [sflag:s17], s14;
	s19 =	ssub.s32 @!p1 $0x0, s14  }
0x1c: {  	s14 =	smov.u32 s10;
	s13 =	sadd.s32 $0x1, s13;
	[sflag:s17] =	ssyncset.done @!p1 $0x0  }
0x1d: {  	s10 =	smov.u32 s12;
	s12 =	smov.u32 s18;
	[sflag:s17] =	ssyncadd.s32 @!p1 s19  }
.LBB1_1:
0x1e: {  	p1 =	sgt.u32 s13, s6  }
0x1f: {  	s16 =	sshrl.u32 @!p1 s12, $0x3  }
0x20: {  	s17 =	sshll.u32 @!p1 s11, $0x3;
	s16 =	smul.u32 @!p1 $0x7A1400, s16  }
0x21: {  	s18 =	sshll.u32 @!p1 s12, $0x7;
	s17 =	sand.u32 @!p1 $0xFFFFFC00, s17  }
0x22: {  	s16 =	sadd.s32 @!p1 s16, s17;
	s17 =	sand.u32 @!p1 $0x380, s18  }
0x23: {  	s18 =	sand.u32 @!p1 $0x7F, s11;
	s16 =	sor.u32 @!p1 s17, s16  }
0x24: {  	s17 =	sor.u32 @!p1 s18, s16  }
0x25: {  	s18 =	smulhi.u32 @!p1 $0x218D6287, s17;
	_ =	sdelay $0x1  }
0x26: {  	s16 =	smulhi.u32 @!p1 $0x218D6287, s16;
	s18 =	sshrl.u32 @!p1 s18, $0x11  }
0x27: {  	s18 =	smul.u32 @!p1 $0xF4280, s18  }
0x28: {  	s19 =	sxor.u32 @!p1 $0xFFFFFFFF, s13;
	s16 =	sshrl.u32 @!p1 s16, $0x11  }
0x29: {  	s19 =	sshll.u32 @!p1 s19, $0xD;
	s16 =	sand.u32 @!p1 $0x3F, s16;
	s17 =	ssub.s32 @!p1 s17, s18  }
0x2a: {  	s16 =	smul.u32 @!p1 $0x1E850, s16;
	s18 =	sshrl.u32 @!p1 s17, $0x3;
	s17 =	sand.u32 @!p1 $0x7, s17  }
0x2b: {  	s19 =	sand.u32 @!p1 $0x2000, s19;
	s18 =	sadd.s32 @!p1 s2, s18;
	s17 =	sshll.u32 @!p1 s17, $0x12  }
0x2c: {  	s16 =	sadd.s32 @!p1 s16, s18;
	s17 =	sor.u32 @!p1 $0x400, s17;
	s18 =	simm.s32 @!p1 $0x7A1400  }
0x2d: {  	[tilespmem:s19], [sflag:$0x1] =	stream.strided.gather @!p1 [hbm4b:s16+s17], $0x2000, s18, s17, $0x38;
	[tilespmem:$0x8100] =	vst v63  }
0x2e: {  	p1 =	seq.s32 s13, $0x0  }
0x2f: {  	p2 =	sge.u32 @!p1 s13, s7  }
0x30: {  	p1 =	por p1, p2  }
.Ltmp2:
0x31: {  	_ = 	snop;
	(pc) =	sbr.rel @p1 .LBB1_5-.Ltmp2, $1  }
0x32: {  	_ =	sdelay $0x3  }
0x33: {  	s16 =	simm.s32 $0x1  }
0x34: {  	_ =	swait.ge [sflag:s4], $0x2000;
	s16 =	simm.s32 @!p0 $0x0  }
0x35: {  	[sflag:s4] =	ssyncset.done $0x0;
	s17 =	sshll.u32 s16, $0xD  }
0x36: {  	[sflag:s4] =	ssyncadd.s32 $0xFFFFE000;
	s17 =	sor.u32 $0x40, s17  }
0x37: {  	s16 =	smul.u32 $0x8200, s16;
	v0 =	vld [tilespmem:s17+$0x30]  }
0x38: {  	v1 =	vld [tilespmem:s17+$0xFFFFFFD0]  }
0x39: {  	s16 =	sshrl.u32 s16, $0x2;
	v5 =	vld [tilespmem:s17+$0xFFFFFFE0]  }
0x3a: {  	v6 =	vld [tilespmem:s17+$0xFFFFFFF0];
	s19 =	sor.u32 $0x4000, s16  }
0x3b: {  	s31 =	sand.u32 $0x1, s13;
	v4 =	vld [tilespmem:s17+$0x0];
	s18 =	sadd.s32 $0x0, s19  }
0x3c: {  	v3 =	vld [tilespmem:s17+$0x10];
	s16 =	smul.u32 $0x8200, s31;
	[tilespmem:s18+$0x1C70 ss:$0x41] =	vst.msk $0xffff, v0  }
0x3d: {  	v2 =	vld [tilespmem:s17+$0x20];
	[tilespmem:s18+$0x410 ss:$0x41] =	vst.msk $0xffff, v1  }
0x3e: {  	s16 =	sshrl.u32 s16, $0x2;
	v1 =	vld [tilespmem:s17+$0xFFFFFFC0];
	[tilespmem:s18+$0x820 ss:$0x41] =	vst.msk $0xffff, v5;
	s17 =	sadd.s32 $0x80, s17  }
0x3f: {  	s20 =	simm.s32 $0x4;
	s21 =	simm.s32 $0x8;
	s16 =	sor.u32 $0x4000, s16;
	[tilespmem:s18+$0xC30 ss:$0x41] =	vst.msk $0xffff, v6;
	v0 =	vld [tilespmem:s17+$0x30]  }
.LBB1_3:
0x40: {  	p1 =	sne.s32 s21, $0xFC;
	v5 =	vld [tilespmem:s17+$0xFFFFFFD0];
	[tilespmem:s18+$0x1040 ss:$0x41] =	vst.msk $0xffff, v4  }
0x41: {  	v6 =	vld [tilespmem:s17+$0xFFFFFFE0];
	[tilespmem:s18+$0x1450 ss:$0x41] =	vst.msk $0xffff, v3  }
0x42: {  	s22 =	sshra.s32 s20, $0x2;
	s20 =	smov.u32 s21;
	v7 =	vld [tilespmem:s17+$0xFFFFFFF0];
	[tilespmem:s18+$0x1860 ss:$0x41] =	vst.msk $0xffff, v2  }
.Ltmp3:
0x43: {  	v4 =	vld [tilespmem:s17+$0x0];
	[tilespmem:s18+$0x0 ss:$0x41] =	vst.msk $0xffff, v1;
	s18 =	sadd.s32 s22, s19;
	(pc) =	sbr.rel @p1 .LBB1_3-.Ltmp3, $4  }
0x44: {  	v3 =	vld [tilespmem:s17+$0x10];
	[tilespmem:s18+$0x1C70 ss:$0x41] =	vst.msk $0xffff, v0  }
0x45: {  	[tilespmem:s18+$0x410 ss:$0x41] =	vst.msk $0xffff, v5;
	v2 =	vld [tilespmem:s17+$0x20]  }
0x46: {  	v1 =	vld [tilespmem:s17+$0xFFFFFFC0];
	[tilespmem:s18+$0x820 ss:$0x41] =	vst.msk $0xffff, v6;
	s17 =	sadd.s32 $0x80, s17  }
0x47: {  	s21 =	sadd.s32 $0x4, s21;
	v0 =	vld [tilespmem:s17+$0x30];
	[tilespmem:s18+$0xC30 ss:$0x41] =	vst.msk $0xffff, v7  }
0x48: {  	s21 =	sshll.u32 s9, $0x7;
	s22 =	sshll.u32 s10, $0x3;
	s20 =	sshra.s32 s20, $0x2  }
0x49: {  	p1 =	sgt.s32 s9, $0xF41C0;
	s30 =	sshra.s32 s9, $0x1F;
	s25 =	sshra.s32 s10, $0x1F  }
0x4a: {  	v5 =	vld [tilespmem:s17+$0xFFFFFFD0];
	s28 =	sshrl.u32 s10, $0x3;
	s23 =	sand.u32 $0xFFFFFC00, s21;
	s22 =	sand.u32 $0xFFFFFC00, s22  }
0x4b: {  	[tilespmem:s18+$0x1040 ss:$0x41] =	vst.msk $0xffff, v4;
	v58 =	vld [tilespmem:s17+$0xFFFFFFE0];
	s21 =	sand.u32 $0x380, s21;
	s19 =	sadd.s32 s20, s19;
	s22 =	sadd.s32 s22, s23  }
0x4c: {  	v59 =	vld [tilespmem:s17+$0xFFFFFFF0];
	[tilespmem:s18+$0x1450 ss:$0x41] =	vst.msk $0xffff, v3;
	s29 =	sor.u32 s21, s22;
	s21 =	smov.u32 s9;
	s22 =	sand.u32 s30, s9  }
0x4d: {  	v60 =	vld [tilespmem:s17+$0x0];
	[tilespmem:s18+$0x1860 ss:$0x41] =	vst.msk $0xffff, v2;
	s30 =	sand.u32 $0x7, s10;
	s20 =	sshrl.u32 s29, $0x7;
	s21 =	simm.s32 @!p1 $0xF41C0  }
0x4e: {  	v61 =	vld [tilespmem:s17+$0x10];
	[tilespmem:s18+$0x0 ss:$0x41] =	vst.msk $0xffff, v1;
	p1 =	sgt.s32 s10, $0x40;
	s24 =	ssub.s32 s21, s22;
	s21 =	smov.u32 s10  }
0x4f: {  	v62 =	vld [tilespmem:s17+$0x20];
	[tilespmem:s19+$0x1C70 ss:$0x41] =	vst.msk $0xffff, v0;
	s31 =	smulhi.u32 $0x218DEF5, s20;
	s22 =	sand.u32 s25, s10;
	s21 =	simm.s32 @!p1 $0x40  }
0x50: {  	v63 =	vld [tilespmem:s17+$0xFFFFFFC0];
	[tilespmem:s19+$0x410 ss:$0x41] =	vst.msk $0xffff, v5;
	s26 =	sadd.s32 $0xFFF0BE40, s24;
	s17 =	ssub.s32 $0xF4240, s24;
	s21 =	ssub.s32 s21, s22  }
0x51: {  	[tilespmem:s19+$0x820 ss:$0x41] =	vst.msk $0xffff, v58;
	s23 =	sshrl.u32 s31, $0xD;
	p1 =	sgt.s32 s26, $0x7F;
	s27 =	sadd.s32 $0xFFFFFFC0, s21  }
0x52: {  	[tilespmem:s19+$0xC30 ss:$0x41] =	vst.msk $0xffff, v59;
	s23 =	smul.u32 $0xF4240, s23;
	s18 =	ssub.s32 $0x80, s21;
	p2 =	sgt.s32 s27, $0x3F  }
.Ltmp4:
0x53: {  	[tilespmem:s19+$0x1040 ss:$0x41] =	vst.msk $0xffff, v60;
	s17 =	simm.s32 @p1 $0x0;
	s18 =	simm.s32 @p2 $0x0;
	(pc) =	sbr.rel .LBB1_5-.Ltmp4, $4  }
0x54: {  	s29 =	sand.u32 $0xF, s28;
	[tilespmem:s19+$0x1450 ss:$0x41] =	vst.msk $0xffff, v61;
	s20 =	ssub.s32 s20, s23;
	s17 =	smul.u32 s18, s17  }
0x55: {  	[tilespmem:s19+$0x1860 ss:$0x41] =	vst.msk $0xffff, v62;
	s21 =	sshll.u32 s30, $0x12;
	s20 =	sshll.u32 s20, $0x4;
	s18 =	sadd.s32 s5, s29  }
0x56: {  	[tilespmem:s19+$0x0 ss:$0x41] =	vst.msk $0xffff, v63;
	s31 =	sor.u32 $0x40, s21;
	s18 =	sadd.s32 s20, s18;
	s17 =	sand.u32 $0x3FFFFFFF, s17  }
0x57: {  	[hbm4b:s18+s31] =	stream.strided.scatter [tilespmem:s16], [sflag:$0x2], s17, s8, s31, $0x18;
	[tilespmem:$0x8100] =	vst v63  }
.LBB1_6:
0x58: {  	_ =	sfence.sel $0x180000  }
0x59: {  	s2 =	simm.s32 $0x1;
	[bflag:$0x0] =	sbarrier.arrive $0xFFFF  }
0x5a: {  	s31 =	simm.s32 $0x2;
	[sflag:s2] =	ssyncpa.u1 $0x1  }
0x5b: {  	[sflag:s31] =	ssyncpa.u1 $0x1  }
0x5c: {  	p0 =	sne.s32 s1, $0x0;
	_ =	strace $0x90000047  }
0x5d: {  	s0 =	sadd.s32 @!p0 $0x100000, s0;
	[bflag:$0x2] =	sbarrier.arrive $0xFFFF  }
0x5e: {  	[sflag:s0] =	ssyncadd.tile.s32 @!p0 $0x1;
	_ =	shalt  }
.Lfunc_end1:
_tile_overlayer_lowered:
.L_overlay_start_2:
0x5f: {  	(tag) =	ssettag $0x2  }
0x60: {  	s0 =	rddreg [dreg:$0x0];
	s2 =	stileid.u32  }
0x61: {  	s1 =	rddreg [dreg:$0x1];
	p0 =	sne.s32 s2, $0x0  }
0x62: {  	s3 =	rddreg [dreg:$0x2];
	[bflag:$0x3] =	sbarrier.arrive $0xFFFF;
	s2 =	simm.s32 @!p0 $0x1C01  }
0x63: {  	[timem:s3], [sflag:s2] =	dma.local @!p0 [hbm:s0], s1  }
0x64: {  	s0 =	simm.s32 @!p0 $0x1  }
0x65: {  	_ =	swait.ge @!p0 [sflag:s0], s1  }
0x66: {  	s1 =	ssub.s32 @!p0 $0x0, s1;
	[sflag:s0] =	ssyncset.done @!p0 $0x0  }
0x67: {  	[sflag:s0] =	ssyncadd.s32 @!p0 s1  }
0x68: {  	[bflag:$0x3] =	sbarrier.arrive $0xFFFF  }
0x69: {  	_ =	shalt  }

// kernel: sparse-core-data-format-call.cloned.1.call-start
scs
called_computation_lowered:
.L_overlay_start_0:
0x0: {  	s2 =	sld [smem:$0x3FD9]  }
0x1: {  	s3 =	sld [smem:$0x3FFE];
	_ =	sdelay $0x1  }
0x2: {  	s1 =	srdreg.scid  }
0x3: {  	s0 =	sand.u32 $0x1, s1  }
0x4: {  	s18 =	sshll.u32 s0, $0xA;
	s2 =	sadd.s32 s3, s2  }
0x5: {  	s2 =	sadd.s32 s2, s18  }
0x6: {  	[smem:$0x3FC6] =	sst s2  }
0x7: {  	_ = 	snop  }
0x8: {  	s2 =	sld [smem:$0x3FD0];
	(tm) =	ssettm $0x1  }
0x9: {  	s19 =	sld [smem:$0x3FFB];
	_ =	sdelay $0x3  }
0xa: {  	_ =	strace s19  }
0xb: {  	s3 =	sld [smem:$0x3FFC];
	_ =	sdelay $0x3  }
0xc: {  	_ =	strace s3  }
0xd: {  	s3 =	sld [smem:$0x3FFD];
	_ =	sdelay $0x3  }
0xe: {  	_ =	strace s3  }
0xf: {  	_ =	strace $0x8FFFFFFF  }
0x10: {  	s20 =	sld [smem:$0x3FDB];
	_ =	sdelay $0x1  }
0x11: {  	s4 =	simm.s32 $_scs_section_size  }
0x12: {  	s5 =	simm.s32 $_size__tile_overlayer_lowered;
	s6 =	simm.s32 $_tile_overlayer_lowered  }
0x13: {  	s23 =	simm.s32 $0x1BFF;
	s22 =	sshll.u32 s6, $0x1;
	s3 =	sadd.s32 s4, s20  }
0x14: {  	s7 =	simm.s32 $0x0;
	s21 =	sshll.u32 s5, $0x1;
	s5 =	sadd.s32 s22, s3  }
0x15: {  	[timem:s7], [sflag:s23] =	dma.local [hbm:s5], s21  }
0x16: {  	_ =	swait.ge [sflag:s23], s21  }
0x17: {  	s4 =	ssub.s32 $0x0, s21;
	[sflag:s23] =	ssyncset.done $0x0  }
0x18: {  	[sflag:s23] =	ssyncadd.s32 s4;
	_ =	sdelay $0x1  }
0x19: {  	s24 =	simm.s32 $0x1B8B  }
0x1a: {  	_ =	swait.ge [sflag:s24], $0x1  }
0x1b: {  	[sflag:s24] =	ssyncset.done $0x0  }
0x1c: {  	s26 =	simm.s32 $0x1B8E;
	s25 =	sld [smem:$0x3FFE];
	[sflag:s24] =	ssyncadd.s32 $0xFFFFFFFF  }
0x1d: {  	s27 =	simm.s32 $execute0_lowered;
	[smem:$0x3FD2] =	sst s26  }
0x1e: {  	s5 =	sshll.u32 s27, $0x1;
	_ =	strace $0x8000004C;
	[dreg:$0x1] =	wrdreg $0xFFFFFFFF  }
0x1f: {  	s28 =	simm.s32 $_size_execute0_lowered;
	s3 =	sadd.s32 s3, s5;
	[dreg:$0x0] =	wrdreg $0x0  }
0x20: {  	s5 =	sshll.u32 s28, $0x1;
	[dreg:$0x2] =	wrdreg s3  }
0x21: {  	[dreg:$0x3] =	wrdreg s5  }
0x22: {  	[dreg:$0x4] =	wrdreg $0xC0  }
0x23: {  	_ =	task [dreg:s7], $0x5FFFF  }
0x24: {  	[dreg:$0x1] =	wrdreg $0xFFFFFFFF  }
0x25: {  	[dreg:$0x0] =	wrdreg $0x60  }
0x26: {  	[dreg:$0x2] =	wrdreg s25  }
0x27: {  	[dreg:$0x3] =	wrdreg s2  }
0x28: {  	[dreg:$0x4] =	wrdreg $0x9  }
0x29: {  	_ =	task.clear_ibuf [dreg:s7], $0x5FFFF;
	_ =	strace $0x9000004C  }
0x2a: {  	s29 =	simm.s32 $0x9;
	_ =	strace $0x8000004E  }
0x2b: {  	_ =	swait.ge [sflag:s29], $0x1  }
0x2c: {  	[sflag:s29] =	ssyncadd.s32 $0xFFFFFFFF  }
0x2d: {  	_ =	strace $0x9000004E  }
0x2e: {  	_ =	sfence  }
0x2f: {  	s30 =	sld [smem:$0x0];
	_ =	sdelay $0x2  }
0x30: {  	s31 =	sshll.u32 s1, $0xD;
	s1 =	sshrl.u32 s1, $0x2  }
0x31: {  	s3 =	sand.u32 $0x4000, s31;
	s1 =	sadd.s32 s1, s30  }
0x32: {  	s0 =	sor.u32 s3, s0;
	s1 =	sshll.u32 s1, $0x11  }
0x33: {  	s0 =	sor.u32 s1, s0  }
0x34: {  	s0 =	sadd.s32 $0x8F2B, s0  }
0x35: {  	[sflag:s0] =	ssyncadd.remote.s32 $0x1  }
0x36: {  	_ =	sfence.sel $0xFFFF  }
0x37: {  	[dreg:$0x0] =	wrdreg $0xFFFFFFFF;
	(pc) =	sbr.abs _section_cstart, $3  }
0x38: {  	[dreg:$0x1] =	wrdreg $0xFFFFFFFF  }
0x39: {  	_ =	task.clear_ibuf [dreg:s7], $0x2FFFF;
	_ =	strace $0x9FFFFFFF  }
0x3a: {  	(tm) =	ssettm $0x7FFFFFFF  }
0x3b: {  	_ =	shalt  }
tec
execute0_lowered:
.L_overlay_start_1:
0x0: {  	(tag) =	ssettag $0x1  }
0x1: {  	s0 =	srdreg.scid  }
0x2: {  	s1 =	sshll.u32 s0, $0x4  }
0x3: {  	s0 =	stileid.u32;
	s1 =	sand.u32 $0x10, s1  }
0x4: {  	s1 =	sor.u32 s0, s1  }
0x5: {  	s6 =	rddreg [dreg:$0x0];
	s4 =	simm.s32 $0x1;
	s2 =	sshll.u32 s1, $0x7  }
0x6: {  	s7 =	simm.s32 $0x2;
	s12 =	simm.s32 $0x0;
	s1 =	ssub.s32 $0x1000, s2  }
0x7: {  	s8 =	simm.s32 $0x8000;
	s13 =	simm.s32 $0x0;
	s3 =	sand.u32 $0xF80, s1  }
0x8: {  	s9 =	simm.s32 $0x0;
	s5 =	sshrl.u32 s1, $0xC;
	p0 =	sne.s32 s3, $0x0  }
.Ltmp0:
0x9: {  	s1 =	rddreg [dreg:$0x2];
	s4 =	simm.s32 @!p0 $0x0;
	(pc) =	sbr.rel .LBB1_1-.Ltmp0, $4  }
0xa: {  	s11 =	simm.s32 $0x0;
	s3 =	rddreg [dreg:$0x1];
	s5 =	sadd.s32 s4, s5  }
0xb: {  	_ =	strace $0x8000004D;
	s4 =	simm.s32 $0x1;
	s5 =	smul.u32 $0xC8, s5  }
0xc: {  	s6 =	sadd.s32 $0x1422200, s6;
	s10 =	smov.u32 s2;
	[sflag:s4] =	ssyncpa.u1 $0x0  }
0xd: {  	p0 =	por $0x0, $0x0;
	[sflag:s7] =	ssyncpa.u1 $0x0;
	s7 =	sor.u32 $0x1, s5  }
.LBB1_4:
0xe: {  	s16 =	sshll.u32 s13, $0x3;
	s17 =	sand.u32 $0x78, s13  }
0xf: {  	s30 =	sand.u32 $0x7E00, s13;
	s12 =	sshll.u32 s12, $0xF;
	s16 =	sand.u32 $0xC00, s16  }
0x10: {  	[tilespmem:s15+$0x810 ss:$0x81] =	vst.msk $0xffff, v2;
	s31 =	sand.u32 $0x7, s13;
	s16 =	sor.u32 s17, s16;
	s17 =	sadd.s32 s3, s30  }
0x11: {  	[tilespmem:s15+$0x1020 ss:$0x81] =	vst.msk $0xffff, v0;
	s13 =	sshll.u32 s31, $0x12;
	s12 =	sadd.s32 s12, s17;
	s16 =	sshrl.u32 s16, $0x3  }
0x12: {  	[tilespmem:s15+$0x0 ss:$0x81] =	vst.msk $0xffff, v1;
	s13 =	sor.u32 $0x400, s13;
	s12 =	sadd.s32 s16, s12  }
0x13: {  	[hbm4b:s12+s13] =	stream.strided.scatter [tilespmem:s14], [sflag:$0x2], $0x2000, s8, s13, $0x20;
	[tilespmem:$0x8080] =	vst v63  }
.LBB1_5:
0x14: {  	s14 =	sadd.s32 $0x1, s9  }
0x15: {  	s12 =	sadd.s32 $0x1000, s10;
	s16 =	smov.u32 s10;
	p2 =	sgt.s32 s14, $0xC7  }
0x16: {  	s16 =	smov.u32 @p2 s12  }
0x17: {  	s14 =	simm.s32 @p2 $0x0;
	p2 =	sgt.s32 s16, $0xFFF  }
0x18: {  	s16 =	smov.u32 @p2 s2;
	p2 =	sne.s32 s11, s7  }
.Ltmp1:
0x19: {  	p1 =	slt.u32 s11, $0x2;
	(pc) =	sbr.rel @!p2 .LBB1_6-.Ltmp1, $4  }
0x1a: {  	s15 =	simm.s32 @!p1 $0x2  }
0x1b: {  	s13 =	smov.u32 s10;
	p0 =	por !p0, !p0;
	_ =	swait.ge @!p1 [sflag:s15], $0x2000  }
0x1c: {  	s12 =	smov.u32 s9;
	[sflag:s15] =	ssyncset.done @!p1 $0x0;
	s9 =	smov.u32 s14  }
0x1d: {  	s11 =	sadd.s32 $0x1, s11;
	[sflag:s15] =	ssyncadd.s32 @!p1 $0xFFFFE000;
	s10 =	smov.u32 s16  }
.LBB1_1:
0x1e: {  	p1 =	sge.u32 s11, s5  }
0x1f: {  	s14 =	sand.u32 @!p1 $0x1FFFFFF, s9  }
0x20: {  	s15 =	smulhi.u32 @!p1 $0x147AE15, s14;
	_ =	sdelay $0x1  }
0x21: {  	s15 =	smul.u32 @!p1 $0xC8, s15  }
0x22: {  	s16 =	sxor.u32 @!p1 $0xFFFFFFFF, s11;
	s17 =	smul.u32 @!p1 $0xC80, s10  }
0x23: {  	s31 =	sadd.s32 $0xFFFFFFFF, s11;
	s16 =	sshll.u32 @!p1 s16, $0xD;
	s14 =	ssub.s32 @!p1 s14, s15  }
0x24: {  	s15 =	sand.u32 @!p1 $0x2000, s16;
	s16 =	sadd.s32 @!p1 s6, s17;
	s14 =	sshll.u32 @!p1 s14, $0x4  }
0x25: {  	s17 =	simm.s32 @!p1 $0x6400;
	s14 =	sadd.s32 @!p1 s14, s16;
	s16 =	simm.s32 @!p1 $0x40  }
0x26: {  	[tilespmem:s15], [sflag:$0x1] =	stream.strided.gather @!p1 [hbm4b:s14+s16], $0x2000, s17, s16, $0x38;
	[tilespmem:$0x8080] =	vst v63  }
0x27: {  	p1 =	sge.u32 s31, s5  }
.Ltmp2:
0x28: {  	_ = 	snop;
	(pc) =	sbr.rel @p1 .LBB1_5-.Ltmp2, $1  }
0x29: {  	_ =	sdelay $0x3  }
0x2a: {  	s14 =	simm.s32 $0x1  }
0x2b: {  	_ =	swait.ge [sflag:s4], $0x2000;
	s14 =	simm.s32 @!p0 $0x0  }
0x2c: {  	[sflag:s4] =	ssyncset.done $0x0;
	s15 =	sshll.u32 s14, $0xD  }
0x2d: {  	[sflag:s4] =	ssyncadd.s32 $0xFFFFE000;
	s18 =	sor.u32 $0x20, s15  }
0x2e: {  	s14 =	smul.u32 $0x8100, s14;
	v3 =	vld [tilespmem:s18+$0x10]  }
0x2f: {  	s30 =	sand.u32 $0x1, s11;
	v2 =	vld [tilespmem:s18+$0xFFFFFFF0]  }
0x30: {  	s15 =	smul.u32 $0x8100, s30;
	s14 =	sshrl.u32 s14, $0x2;
	v0 =	vld [tilespmem:s18+$0x0]  }
0x31: {  	v1 =	vld [tilespmem:s18+$0xFFFFFFE0];
	s16 =	sor.u32 $0x4000, s14  }
0x32: {  	s31 =	sshrl.u32 s15, $0x2;
	s15 =	sadd.s32 $0x0, s16  }
0x33: {  	s17 =	simm.s32 $0x4;
	s18 =	sadd.s32 $0x40, s18;
	s14 =	sor.u32 $0x4000, s31;
	[tilespmem:s15+$0x1830 ss:$0x81] =	vst.msk $0xffff, v3  }
.LBB1_3:
0x34: {  	v3 =	vld [tilespmem:s18+$0x10];
	p1 =	sne.s32 s17, $0x1FC;
	[tilespmem:s15+$0x810 ss:$0x81] =	vst.msk $0xffff, v2;
	s19 =	smov.u32 s17;
	s17 =	sadd.s32 $0x4, s17  }
.Ltmp3:
0x35: {  	v2 =	vld [tilespmem:s18+$0xFFFFFFF0];
	[tilespmem:s15+$0x1020 ss:$0x81] =	vst.msk $0xffff, v0;
	(pc) =	sbr.rel @p1 .LBB1_3-.Ltmp3, $4  }
0x36: {  	v0 =	vld [tilespmem:s18+$0x0];
	[tilespmem:s15+$0x0 ss:$0x81] =	vst.msk $0xffff, v1  }
0x37: {  	s15 =	sshra.s32 s19, $0x2;
	v1 =	vld [tilespmem:s18+$0xFFFFFFE0]  }
0x38: {  	s15 =	sadd.s32 s15, s16  }
0x39: {  	s18 =	sadd.s32 $0x40, s18;
	[tilespmem:s15+$0x1830 ss:$0x81] =	vst.msk $0xffff, v3  }
.Ltmp4:
0x3a: {  	_ = 	snop;
	(pc) =	sbr.rel .LBB1_4-.Ltmp4, $1  }
0x3b: {  	_ =	sdelay $0x3  }
.LBB1_6:
0x3c: {  	_ =	sfence.sel $0x180000  }
0x3d: {  	s2 =	simm.s32 $0x1;
	[bflag:$0x0] =	sbarrier.arrive $0xFFFF  }
0x3e: {  	s31 =	simm.s32 $0x2;
	[sflag:s2] =	ssyncpa.u1 $0x1  }
0x3f: {  	[sflag:s31] =	ssyncpa.u1 $0x1  }
0x40: {  	p0 =	sne.s32 s0, $0x0;
	_ =	strace $0x9000004D  }
0x41: {  	s0 =	sadd.s32 @!p0 $0x100000, s1;
	[bflag:$0x2] =	sbarrier.arrive $0xFFFF  }
0x42: {  	[sflag:s0] =	ssyncadd.tile.s32 @!p0 $0x1;
	_ =	shalt  }
.Lfunc_end1:
_tile_overlayer_lowered:
.L_overlay_start_2:
0x43: {  	(tag) =	ssettag $0x2  }
0x44: {  	s0 =	rddreg [dreg:$0x0];
	s2 =	stileid.u32  }
0x45: {  	s1 =	rddreg [dreg:$0x1];
	p0 =	sne.s32 s2, $0x0  }
0x46: {  	s3 =	rddreg [dreg:$0x2];
	[bflag:$0x3] =	sbarrier.arrive $0xFFFF;
	s2 =	simm.s32 @!p0 $0x1C01  }
0x47: {  	[timem:s3], [sflag:s2] =	dma.local @!p0 [hbm:s0], s1  }
0x48: {  	s0 =	simm.s32 @!p0 $0x1  }
0x49: {  	_ =	swait.ge @!p0 [sflag:s0], s1  }
0x4a: {  	s1 =	ssub.s32 @!p0 $0x0, s1;
	[sflag:s0] =	ssyncset.done @!p0 $0x0  }
0x4b: {  	[sflag:s0] =	ssyncadd.s32 @!p0 s1  }
0x4c: {  	[bflag:$0x3] =	sbarrier.arrive $0xFFFF  }
0x4d: {  	_ =	shalt  }

</sc_bundles>
